<compile_context>
chip_gen: v7x
topology: tpu7x:2x2x1
jax: 0.10.2.dev20260603
libtpu: 0.0.44.dev20260713+nightly
codegen_flags: <defaults>
</compile_context>

<pallas_src>
import functools

import jax
import jax.numpy as jnp
from jax import lax
from jax.experimental import pallas as pl
from jax.experimental.pallas import tpu as pltpu
from jax.experimental.pallas import tpu_sc as plsc

B = 16
K = 128
HW = 128 * 128
NTILES = 32
PAIRS = (B * K) // NTILES
CHANS = (2, 1, 3, 8)
NCH = sum(CHANS)
_CH_MAP = [(a, c) for a, n in enumerate(CHANS) for c in range(n)]
_STREAMS = [(0, 2), (2, 1), (3, 2), (5, 1), (6, 2), (8, 2), (10, 2), (12, 2)]


def _dep_transform(x):
    s = 1.0 / (1.0 + jnp.exp(-x))
    return 1.0 / (s + 1e-6) - 1.0


def _sc_gather(ind_flat, mask_flat, regf, depf, dimf, rotf):
    n128 = sum(1 for _, n in _STREAMS if n == 2)
    n64 = len(_STREAMS) - n128
    mesh = plsc.VectorSubcoreMesh(core_axis_name="c", subcore_axis_name="s")

    @functools.partial(
        pl.kernel,
        mesh=mesh,
        out_type=jax.ShapeDtypeStruct((NTILES * NCH * PAIRS,), jnp.float32),
        scratch_types=[
            pltpu.VMEM((PAIRS,), jnp.int32),
            pltpu.VMEM((PAIRS,), jnp.int32),
            pltpu.VMEM((n128, 128), jnp.int32),
            pltpu.VMEM((n64, PAIRS), jnp.int32),
            pltpu.VMEM((NCH * PAIRS,), jnp.float32),
            pltpu.SemaphoreType.DMA,
        ],
    )
    def sc_kernel(ind_hbm, mask_hbm, reg_hbm, dep_hbm, dim_hbm, rot_hbm,
                  out_hbm, ind_v, mask_v, idxw_v, idxn_v, outb_v, sem):
        wid = lax.axis_index("c") * 16 + lax.axis_index("s")
        b = wid // 2
        base = wid * PAIRS

        pltpu.sync_copy(ind_hbm.at[pl.ds(base, PAIRS)], ind_v)
        pltpu.sync_copy(mask_hbm.at[pl.ds(base, PAIRS)], mask_v)

        srcs = (reg_hbm, dep_hbm, dim_hbm, rot_hbm)
        iw = inr = 0
        stream_refs = []
        for ch0, n_ch in _STREAMS:
            if n_ch == 2:
                row, iw = iw, iw + 1
                idx_ref = idxw_v.at[row]
            else:
                row, inr = inr, inr + 1
                idx_ref = idxn_v.at[row]
            for t in range(n_ch):
                ai, c = _CH_MAP[ch0 + t]
                off = (b * CHANS[ai] + c) * HW
                for j in range(PAIRS // 16):
                    sl = pl.ds(64 * t + 16 * j, 16)
                    if n_ch == 2:
                        idxw_v[row, sl] = ind_v[pl.ds(16 * j, 16)] + off
                    else:
                        idxn_v[row, sl] = ind_v[pl.ds(16 * j, 16)] + off
            stream_refs.append((srcs[_CH_MAP[ch0][0]], idx_ref,
                                ch0 * PAIRS, n_ch * PAIRS))

        handles = [
            pltpu.async_copy(src.at[idx_ref], outb_v.at[pl.ds(o, ln)], sem)
            for src, idx_ref, o, ln in stream_refs]
        for h in handles:
            h.wait()

        for j in range(PAIRS // 16):
            sl = pl.ds(2 * PAIRS + 16 * j, 16)
            outb_v[sl] = _dep_transform(outb_v[sl])
        for j in range(PAIRS // 16):
            mf = mask_v[pl.ds(16 * j, 16)].astype(jnp.float32)
            for ch in range(NCH):
                sl = pl.ds(ch * PAIRS + 16 * j, 16)
                outb_v[sl] = outb_v[sl] * mf

        pltpu.sync_copy(outb_v, out_hbm.at[pl.ds(wid * NCH * PAIRS,
                                                 NCH * PAIRS)])

    return sc_kernel(ind_flat, mask_flat, regf, depf, dimf, rotf)


_NB = 4
_BR = (B * 3 * 128) // _NB


def _mse_body(hm_ref, t_ref, o_ref):
    i = pl.program_id(0)
    x = hm_ref[...]
    t = t_ref[...]
    s = jnp.clip(1.0 / (1.0 + jnp.exp(-x)), 1e-4, 1.0 - 1e-4)
    d = s - t
    ps = jnp.sum(d * d, axis=0, keepdims=True)

    @pl.when(i == 0)
    def _init():
        o_ref[...] = ps

    @pl.when(i > 0)
    def _acc():
        o_ref[...] += ps


def _tc_mse(hm2, hmt2):
    return pl.pallas_call(
        _mse_body,
        grid=(_NB,),
        in_specs=[
            pl.BlockSpec((_BR, 128), lambda i: (i, 0)),
            pl.BlockSpec((_BR, 128), lambda i: (i, 0)),
        ],
        out_specs=pl.BlockSpec((1, 128), lambda i: (0, 0)),
        out_shape=jax.ShapeDtypeStruct((1, 128), jnp.float32),
    )(hm2, hmt2)


_CH0GL = [0, 2, 3, 6, NCH]


def _combine_body(mse_ref, pr_ref, tg_ref, o_tot, o_hm, o_off, o_dep,
                  o_dim, o_rot):
    pr = pr_ref[...]
    tg = tg_ref[...]
    row = lax.broadcasted_iota(jnp.int32, pr.shape, 0)
    col = lax.broadcasted_iota(jnp.int32, pr.shape, 1)
    ch = 2 * (row % 7) + (col >= 64).astype(jnp.int32)
    d = jnp.abs(pr - tg)
    hm_l = jnp.sum(mse_ref[...]) / (B * 3.0 * HW)
    ls = []
    for a in range(4):
        sel = jnp.logical_and(ch >= _CH0GL[a], ch < _CH0GL[a + 1])
        ls.append(jnp.sum(jnp.where(sel, d, 0.0)) / (B * K * float(CHANS[a])))
    o_hm[0, 0] = hm_l
    o_off[0, 0] = ls[0]
    o_dep[0, 0] = ls[1]
    o_dim[0, 0] = ls[2]
    o_rot[0, 0] = ls[3]
    o_tot[0, 0] = hm_l + ls[0] + ls[1] + ls[2] + ls[3]


def _tc_combine(mse, preds2d, tmask):
    scalar = jax.ShapeDtypeStruct((1, 1), jnp.float32)
    return pl.pallas_call(
        _combine_body,
        out_specs=[pl.BlockSpec(memory_space=pltpu.SMEM)] * 6,
        out_shape=[scalar] * 6,
    )(mse, preds2d, tmask)


def _to_tile_layout(t):
    C = t.shape[2]
    return t.transpose(0, 2, 1).reshape(B, C, 2, PAIRS).transpose(
        0, 2, 1, 3).reshape(NTILES, C * PAIRS)


def kernel(hm, reg, dep, dim, rot, hm_target, reg_mask, ind, reg_target,
           dep_target, dim_target, rot_target):
    ind_flat = ind.astype(jnp.int32).reshape(-1)
    mask_flat = reg_mask.astype(jnp.int32).reshape(-1)
    preds = _sc_gather(ind_flat, mask_flat, reg.reshape(-1), dep.reshape(-1),
                       dim.reshape(-1), rot.reshape(-1))
    mf3 = reg_mask.astype(jnp.float32)[:, :, None]
    tmask = jnp.concatenate(
        [_to_tile_layout(t * mf3) for t in
         (reg_target, dep_target, dim_target, rot_target)], axis=1)
    mse = _tc_mse(hm.reshape(B * 3 * 128, 128),
                  hm_target.reshape(B * 3 * 128, 128))
    outs = _tc_combine(mse, preds.reshape(NTILES * 7, 128),
                       tmask.reshape(NTILES * 7, 128))
    tot, hm_l, off_l, dep_l, dim_l, rot_l = [o.reshape(()) for o in outs]
    return (tot, hm_l, off_l, dep_l, dim_l, rot_l)

# --- scband reference (transcript-rebuilt; emitter-appended) ---
"""Pipeline reference for scband-fish3d-loss-70042326663337 (READ-ONLY COPY).

The authoritative reference and input builder live on the scoring server;
editing this copy changes nothing except your own understanding.
"""

import jax, jax.numpy as jnp
import numpy as np


def _sigmoid_clamped(x):
    return jnp.clip(jax.nn.sigmoid(x), 1e-4, 1.0 - 1e-4)


def _transpose_and_gather_feat(feat, ind):
    # feat: [B, C, H, W], ind: [B, K] with values in [0, H*W)
    B, C, H, W = feat.shape
    feat = jnp.transpose(feat, (0, 2, 3, 1)).reshape(B, H * W, C)
    idx = jnp.broadcast_to(ind[:, :, None], (B, ind.shape[1], C))
    return jnp.take_along_axis(feat, idx, axis=1)  # [B, K, C]


def _reg_l1_loss(output, mask, ind, target):
    pred = _transpose_and_gather_feat(output, ind)  # [B, K, C]
    m = jnp.broadcast_to(mask[:, :, None].astype(jnp.float32), pred.shape)
    return jnp.mean(jnp.abs(pred * m - target * m))


def setup_inputs(seed: int = 0) -> dict:
    key = jax.random.key(seed)
    ks = jax.random.split(key, 12)
    B, K, H, W = 16, 128, 128, 128
    inp = {
        'hm': jax.random.normal(ks[0], (B, 3, H, W), dtype=jnp.float32),
        'reg': jax.random.normal(ks[1], (B, 2, H, W), dtype=jnp.float32),
        'dep': jax.random.normal(ks[2], (B, 1, H, W), dtype=jnp.float32),
        'dim': jax.random.normal(ks[3], (B, 3, H, W), dtype=jnp.float32),
        'rot': jax.random.normal(ks[4], (B, 8, H, W), dtype=jnp.float32),
        'hm_target': jax.random.uniform(ks[5], (B, 3, H, W), dtype=jnp.float32),
        'reg_mask': jax.random.randint(ks[6], (B, K), 0, 2, dtype=jnp.int32),
        'ind': jax.random.randint(ks[7], (B, K), 0, H * W, dtype=jnp.int64),
        'reg_target': jax.random.normal(ks[8], (B, K, 2), dtype=jnp.float32),
        'dep_target': jax.random.uniform(ks[9], (B, K, 1), dtype=jnp.float32),
        'dim_target': jax.random.normal(ks[10], (B, K, 3), dtype=jnp.float32),
        'rot_target': jax.random.normal(ks[11], (B, K, 8), dtype=jnp.float32),
    }
    return inp


def reference(hm, reg, dep, dim, rot, hm_target, reg_mask, ind, reg_target,
              dep_target, dim_target, rot_target):
    hm_pred = _sigmoid_clamped(hm)
    dep_pred = 1.0 / (jax.nn.sigmoid(dep) + 1e-6) - 1.0

    hm_loss = jnp.mean((hm_pred - hm_target) ** 2)  # MSELoss
    off_loss = _reg_l1_loss(reg, reg_mask, ind, reg_target)
    dep_loss = _reg_l1_loss(dep_pred, reg_mask, ind, dep_target)
    dim_loss = _reg_l1_loss(dim, reg_mask, ind, dim_target)
    rot_loss = _reg_l1_loss(rot, reg_mask, ind, rot_target)

    loss = hm_loss + off_loss + dep_loss + dim_loss + rot_loss
    return (loss, hm_loss, off_loss, dep_loss, dim_loss, rot_loss)

if __name__ == "__main__":
    import jax
    _d = setup_inputs()
    print(jax.jit(kernel)(*tuple(_d.values())))

</pallas_src>

<mosaic_0001>
#map = affine_map<(d0, d1) -> (0)>
module attributes {stable_mosaic.version = 14 : i64} {
  func.func @sc_kernel(%arg0: i32, %arg1: i32, %arg2: memref<2048xi32, #tpu.memory_space<hbm>>, %arg3: memref<2048xi32, #tpu.memory_space<hbm>>, %arg4: memref<524288xf32, #tpu.memory_space<hbm>>, %arg5: memref<262144xf32, #tpu.memory_space<hbm>>, %arg6: memref<786432xf32, #tpu.memory_space<hbm>>, %arg7: memref<2097152xf32, #tpu.memory_space<hbm>>, %arg8: memref<28672xf32, #tpu.memory_space<hbm>>, %arg9: memref<64xi32, #tpu.memory_space<vmem>>, %arg10: memref<64xi32, #tpu.memory_space<vmem>>, %arg11: memref<6x128xi32, #tpu.memory_space<vmem>>, %arg12: memref<2x64xi32, #tpu.memory_space<vmem>>, %arg13: memref<896xf32, #tpu.memory_space<vmem>>, %arg14: memref<!tpu.dma_semaphore, #tpu.memory_space<semaphore_mem>>) attributes {dimension_semantics = [#tpu.dimension_semantics<core_parallel>, #tpu.dimension_semantics<subcore_parallel>], iteration_bounds = array<i64: 2, 16>, scalar_prefetch = 0 : i64, scratch_operands = 6 : i64, tpu.core_type = #tpu.core_type<sc_vector_subcore>, window_params = [{transform_indices = #map}, {transform_indices = #map}, {transform_indices = #map}, {transform_indices = #map}, {transform_indices = #map}, {transform_indices = #map}, {transform_indices = #map}]} {
    %mul3A = arith.constant 16 : i32
    %mul3A_0 = arith.muli %arg0, %mul3A : i32
    %add3A = arith.addi %mul3A_0, %arg1 : i32
    %jit3A = arith.constant 2 : i32
    %div3A = arith.divsi %add3A, %jit3A : i32
    %sign3A = arith.constant 0 : i32
    %sign3A_1 = arith.cmpi sgt, %add3A, %sign3A : i32
    %sign3A_2 = arith.extui %sign3A_1 : i1 to i32
    %sign3A_3 = arith.constant 0 : i32
    %sign3A_4 = arith.cmpi slt, %add3A, %sign3A_3 : i32
    %sign3A_5 = arith.extui %sign3A_4 : i1 to i32
    %sign3A_6 = arith.subi %sign3A_2, %sign3A_5 : i32
    %sign3A_7 = arith.constant 0 : i32
    %sign3A_8 = arith.cmpi sgt, %jit3A, %sign3A_7 : i32
    %sign3A_9 = arith.extui %sign3A_8 : i1 to i32
    %sign3A_10 = arith.constant 0 : i32
    %sign3A_11 = arith.cmpi slt, %jit3A, %sign3A_10 : i32
    %sign3A_12 = arith.extui %sign3A_11 : i1 to i32
    %sign3A_13 = arith.subi %sign3A_9, %sign3A_12 : i32
    %ne3A = arith.cmpi ne, %sign3A_6, %sign3A_13 : i32
    %rem3A = arith.remsi %add3A, %jit3A : i32
    %ne3A_14 = arith.constant 0 : i32
    %ne3A_15 = arith.cmpi ne, %rem3A, %ne3A_14 : i32
    %and3A = arith.andi %ne3A, %ne3A_15 : i1
    %sub3A = arith.constant 1 : i32
    %sub3A_16 = arith.subi %div3A, %sub3A : i32
    %select_n3A = arith.select %and3A, %sub3A_16, %div3A : i32
    %mul3A_17 = arith.constant 64 : i32
    %mul3A_18 = arith.muli %add3A, %mul3A_17 : i32
    "tpu.region"() ({
      %run_scoped3A = tpu.sem_alloc : memref<!tpu.dma_semaphore, #tpu.memory_space<semaphore_mem>>
      %dma_start3A_1412 = tpu.memref_slice %arg2[%mul3A_18] : memref<2048xi32, #tpu.memory_space<hbm>> -> memref<64xi32, #tpu.memory_space<hbm>>
      %dma_start3A_1413 = tpu.memref_slice %arg2[%mul3A_18] : memref<2048xi32, #tpu.memory_space<hbm>> -> memref<64xi32, #tpu.memory_space<hbm>>
      tpu.enqueue_dma source(%dma_start3A_1413 : memref<64xi32, #tpu.memory_space<hbm>>) target(%arg9 : memref<64xi32, #tpu.memory_space<vmem>>) target_semaphore(%run_scoped3A : memref<!tpu.dma_semaphore, #tpu.memory_space<semaphore_mem>>)
      %dma_wait3A_1414 = tpu.memref_slice %arg2[%mul3A_18] : memref<2048xi32, #tpu.memory_space<hbm>> -> memref<64xi32, #tpu.memory_space<hbm>>
      %dma_wait3A_1415 = tpu.memref_slice %arg2[%mul3A_18] : memref<2048xi32, #tpu.memory_space<hbm>> -> memref<64xi32, #tpu.memory_space<hbm>>
      tpu.wait_dma2 semaphore(%run_scoped3A : memref<!tpu.dma_semaphore, #tpu.memory_space<semaphore_mem>>) src(%dma_wait3A_1415 : memref<64xi32, #tpu.memory_space<hbm>>) dst(%arg9 : memref<64xi32, #tpu.memory_space<vmem>>)
      tpu.yield
    }) : () -> ()
    "tpu.region"() ({
      %run_scoped3A = tpu.sem_alloc : memref<!tpu.dma_semaphore, #tpu.memory_space<semaphore_mem>>
      %dma_start3A_1412 = tpu.memref_slice %arg3[%mul3A_18] : memref<2048xi32, #tpu.memory_space<hbm>> -> memref<64xi32, #tpu.memory_space<hbm>>
      %dma_start3A_1413 = tpu.memref_slice %arg3[%mul3A_18] : memref<2048xi32, #tpu.memory_space<hbm>> -> memref<64xi32, #tpu.memory_space<hbm>>
      tpu.enqueue_dma source(%dma_start3A_1413 : memref<64xi32, #tpu.memory_space<hbm>>) target(%arg10 : memref<64xi32, #tpu.memory_space<vmem>>) target_semaphore(%run_scoped3A : memref<!tpu.dma_semaphore, #tpu.memory_space<semaphore_mem>>)
      %dma_wait3A_1414 = tpu.memref_slice %arg3[%mul3A_18] : memref<2048xi32, #tpu.memory_space<hbm>> -> memref<64xi32, #tpu.memory_space<hbm>>
      %dma_wait3A_1415 = tpu.memref_slice %arg3[%mul3A_18] : memref<2048xi32, #tpu.memory_space<hbm>> -> memref<64xi32, #tpu.memory_space<hbm>>
      tpu.wait_dma2 semaphore(%run_scoped3A : memref<!tpu.dma_semaphore, #tpu.memory_space<semaphore_mem>>) src(%dma_wait3A_1415 : memref<64xi32, #tpu.memory_space<hbm>>) dst(%arg10 : memref<64xi32, #tpu.memory_space<vmem>>)
      tpu.yield
    }) : () -> ()
    %mul3A_19 = arith.constant 2 : i32
    %mul3A_20 = arith.muli %select_n3A, %mul3A_19 : i32
    %add3A_21 = arith.constant 0 : i32
    %add3A_22 = arith.addi %mul3A_20, %add3A_21 : i32
    %mul3A_23 = arith.constant 16384 : i32
    %mul3A_24 = arith.muli %add3A_22, %mul3A_23 : i32
    %get3A = arith.constant 0 : index
    %get3A_25 = tpu.vector_load %arg9[%get3A] {strides = array<i32>} : memref<64xi32, #tpu.memory_space<vmem>>, vector<16xi32>,
    %get3A_26 = vector.shape_cast %get3A_25 : vector<16xi32> to vector<16xi32>
    %add3A_27 = vector.broadcast %mul3A_24 : i32 to vector<16xi32>
    %add3A_28 = arith.addi %get3A_26, %add3A_27 : vector<16xi32>
    %swap3A = arith.constant 0 : i32
    %swap3A_29 = arith.index_cast %swap3A : i32 to index
    %swap3A_30 = arith.constant 0 : index
    %swap3A_31 = tpu.vector_load %arg11[%swap3A_29, %swap3A_30] {strides = array<i32>} : memref<6x128xi32, #tpu.memory_space<vmem>>, vector<1x16xi32>,
    %swap3A_32 = vector.shape_cast %swap3A_31 : vector<1x16xi32> to vector<16xi32>
    %swap3A_33 = vector.shape_cast %add3A_28 : vector<16xi32> to vector<1x16xi32>
    tpu.vector_store %arg11[%swap3A_29, %swap3A_30], %swap3A_33 {strides = array<i32>} : memref<6x128xi32, #tpu.memory_space<vmem>>, vector<1x16xi32>,
    %get3A_34 = arith.constant 16 : index
    %get3A_35 = tpu.vector_load %arg9[%get3A_34] {strides = array<i32>} : memref<64xi32, #tpu.memory_space<vmem>>, vector<16xi32>,
    %get3A_36 = vector.shape_cast %get3A_35 : vector<16xi32> to vector<16xi32>
    %add3A_37 = vector.broadcast %mul3A_24 : i32 to vector<16xi32>
    %add3A_38 = arith.addi %get3A_36, %add3A_37 : vector<16xi32>
    %swap3A_39 = arith.constant 0 : i32
    %swap3A_40 = arith.index_cast %swap3A_39 : i32 to index
    %swap3A_41 = arith.constant 16 : index
    %swap3A_42 = tpu.vector_load %arg11[%swap3A_40, %swap3A_41] {strides = array<i32>} : memref<6x128xi32, #tpu.memory_space<vmem>>, vector<1x16xi32>,
    %swap3A_43 = vector.shape_cast %swap3A_42 : vector<1x16xi32> to vector<16xi32>
    %swap3A_44 = vector.shape_cast %add3A_38 : vector<16xi32> to vector<1x16xi32>
    tpu.vector_store %arg11[%swap3A_40, %swap3A_41], %swap3A_44 {strides = array<i32>} : memref<6x128xi32, #tpu.memory_space<vmem>>, vector<1x16xi32>,
    %get3A_45 = arith.constant 32 : index
    %get3A_46 = tpu.vector_load %arg9[%get3A_45] {strides = array<i32>} : memref<64xi32, #tpu.memory_space<vmem>>, vector<16xi32>,
    %get3A_47 = vector.shape_cast %get3A_46 : vector<16xi32> to vector<16xi32>
    %add3A_48 = vector.broadcast %mul3A_24 : i32 to vector<16xi32>
    %add3A_49 = arith.addi %get3A_47, %add3A_48 : vector<16xi32>
    %swap3A_50 = arith.constant 0 : i32
    %swap3A_51 = arith.index_cast %swap3A_50 : i32 to index
    %swap3A_52 = arith.constant 32 : index
    %swap3A_53 = tpu.vector_load %arg11[%swap3A_51, %swap3A_52] {strides = array<i32>} : memref<6x128xi32, #tpu.memory_space<vmem>>, vector<1x16xi32>,
    %swap3A_54 = vector.shape_cast %swap3A_53 : vector<1x16xi32> to vector<16xi32>
    %swap3A_55 = vector.shape_cast %add3A_49 : vector<16xi32> to vector<1x16xi32>
    tpu.vector_store %arg11[%swap3A_51, %swap3A_52], %swap3A_55 {strides = array<i32>} : memref<6x128xi32, #tpu.memory_space<vmem>>, vector<1x16xi32>,
    %get3A_56 = arith.constant 48 : index
    %get3A_57 = tpu.vector_load %arg9[%get3A_56] {strides = array<i32>} : memref<64xi32, #tpu.memory_space<vmem>>, vector<16xi32>,
    %get3A_58 = vector.shape_cast %get3A_57 : vector<16xi32> to vector<16xi32>
    %add3A_59 = vector.broadcast %mul3A_24 : i32 to vector<16xi32>
    %add3A_60 = arith.addi %get3A_58, %add3A_59 : vector<16xi32>
    %swap3A_61 = arith.constant 0 : i32
    %swap3A_62 = arith.index_cast %swap3A_61 : i32 to index
    %swap3A_63 = arith.constant 48 : index
    %swap3A_64 = tpu.vector_load %arg11[%swap3A_62, %swap3A_63] {strides = array<i32>} : memref<6x128xi32, #tpu.memory_space<vmem>>, vector<1x16xi32>,
    %swap3A_65 = vector.shape_cast %swap3A_64 : vector<1x16xi32> to vector<16xi32>
    %swap3A_66 = vector.shape_cast %add3A_60 : vector<16xi32> to vector<1x16xi32>
    tpu.vector_store %arg11[%swap3A_62, %swap3A_63], %swap3A_66 {strides = array<i32>} : memref<6x128xi32, #tpu.memory_space<vmem>>, vector<1x16xi32>,
    %mul3A_67 = arith.constant 2 : i32
    %mul3A_68 = arith.muli %select_n3A, %mul3A_67 : i32
    %add3A_69 = arith.constant 1 : i32
    %add3A_70 = arith.addi %mul3A_68, %add3A_69 : i32
    %mul3A_71 = arith.constant 16384 : i32
    %mul3A_72 = arith.muli %add3A_70, %mul3A_71 : i32
    %get3A_73 = arith.constant 0 : index
    %get3A_74 = tpu.vector_load %arg9[%get3A_73] {strides = array<i32>} : memref<64xi32, #tpu.memory_space<vmem>>, vector<16xi32>,
    %get3A_75 = vector.shape_cast %get3A_74 : vector<16xi32> to vector<16xi32>
    %add3A_76 = vector.broadcast %mul3A_72 : i32 to vector<16xi32>
    %add3A_77 = arith.addi %get3A_75, %add3A_76 : vector<16xi32>
    %swap3A_78 = arith.constant 0 : i32
    %swap3A_79 = arith.index_cast %swap3A_78 : i32 to index
    %swap3A_80 = arith.constant 64 : index
    %swap3A_81 = tpu.vector_load %arg11[%swap3A_79, %swap3A_80] {strides = array<i32>} : memref<6x128xi32, #tpu.memory_space<vmem>>, vector<1x16xi32>,
    %swap3A_82 = vector.shape_cast %swap3A_81 : vector<1x16xi32> to vector<16xi32>
    %swap3A_83 = vector.shape_cast %add3A_77 : vector<16xi32> to vector<1x16xi32>
    tpu.vector_store %arg11[%swap3A_79, %swap3A_80], %swap3A_83 {strides = array<i32>} : memref<6x128xi32, #tpu.memory_space<vmem>>, vector<1x16xi32>,
    %get3A_84 = arith.constant 16 : index
    %get3A_85 = tpu.vector_load %arg9[%get3A_84] {strides = array<i32>} : memref<64xi32, #tpu.memory_space<vmem>>, vector<16xi32>,
    %get3A_86 = vector.shape_cast %get3A_85 : vector<16xi32> to vector<16xi32>
    %add3A_87 = vector.broadcast %mul3A_72 : i32 to vector<16xi32>
    %add3A_88 = arith.addi %get3A_86, %add3A_87 : vector<16xi32>
    %swap3A_89 = arith.constant 0 : i32
    %swap3A_90 = arith.index_cast %swap3A_89 : i32 to index
    %swap3A_91 = arith.constant 80 : index
    %swap3A_92 = tpu.vector_load %arg11[%swap3A_90, %swap3A_91] {strides = array<i32>} : memref<6x128xi32, #tpu.memory_space<vmem>>, vector<1x16xi32>,
    %swap3A_93 = vector.shape_cast %swap3A_92 : vector<1x16xi32> to vector<16xi32>
    %swap3A_94 = vector.shape_cast %add3A_88 : vector<16xi32> to vector<1x16xi32>
    tpu.vector_store %arg11[%swap3A_90, %swap3A_91], %swap3A_94 {strides = array<i32>} : memref<6x128xi32, #tpu.memory_space<vmem>>, vector<1x16xi32>,
    %get3A_95 = arith.constant 32 : index
    %get3A_96 = tpu.vector_load %arg9[%get3A_95] {strides = array<i32>} : memref<64xi32, #tpu.memory_space<vmem>>, vector<16xi32>,
    %get3A_97 = vector.shape_cast %get3A_96 : vector<16xi32> to vector<16xi32>
    %add3A_98 = vector.broadcast %mul3A_72 : i32 to vector<16xi32>
    %add3A_99 = arith.addi %get3A_97, %add3A_98 : vector<16xi32>
    %swap3A_100 = arith.constant 0 : i32
    %swap3A_101 = arith.index_cast %swap3A_100 : i32 to index
    %swap3A_102 = arith.constant 96 : index
    %swap3A_103 = tpu.vector_load %arg11[%swap3A_101, %swap3A_102] {strides = array<i32>} : memref<6x128xi32, #tpu.memory_space<vmem>>, vector<1x16xi32>,
    %swap3A_104 = vector.shape_cast %swap3A_103 : vector<1x16xi32> to vector<16xi32>
    %swap3A_105 = vector.shape_cast %add3A_99 : vector<16xi32> to vector<1x16xi32>
    tpu.vector_store %arg11[%swap3A_101, %swap3A_102], %swap3A_105 {strides = array<i32>} : memref<6x128xi32, #tpu.memory_space<vmem>>, vector<1x16xi32>,
    %get3A_106 = arith.constant 48 : index
    %get3A_107 = tpu.vector_load %arg9[%get3A_106] {strides = array<i32>} : memref<64xi32, #tpu.memory_space<vmem>>, vector<16xi32>,
    %get3A_108 = vector.shape_cast %get3A_107 : vector<16xi32> to vector<16xi32>
    %add3A_109 = vector.broadcast %mul3A_72 : i32 to vector<16xi32>
    %add3A_110 = arith.addi %get3A_108, %add3A_109 : vector<16xi32>
    %swap3A_111 = arith.constant 0 : i32
    %swap3A_112 = arith.index_cast %swap3A_111 : i32 to index
    %swap3A_113 = arith.constant 112 : index
    %swap3A_114 = tpu.vector_load %arg11[%swap3A_112, %swap3A_113] {strides = array<i32>} : memref<6x128xi32, #tpu.memory_space<vmem>>, vector<1x16xi32>,
    %swap3A_115 = vector.shape_cast %swap3A_114 : vector<1x16xi32> to vector<16xi32>
    %swap3A_116 = vector.shape_cast %add3A_110 : vector<16xi32> to vector<1x16xi32>
    tpu.vector_store %arg11[%swap3A_112, %swap3A_113], %swap3A_116 {strides = array<i32>} : memref<6x128xi32, #tpu.memory_space<vmem>>, vector<1x16xi32>,
    %mul3A_117 = arith.constant 1 : i32
    %mul3A_118 = arith.muli %select_n3A, %mul3A_117 : i32
    %add3A_119 = arith.constant 0 : i32
    %add3A_120 = arith.addi %mul3A_118, %add3A_119 : i32
    %mul3A_121 = arith.constant 16384 : i32
    %mul3A_122 = arith.muli %add3A_120, %mul3A_121 : i32
    %get3A_123 = arith.constant 0 : index
    %get3A_124 = tpu.vector_load %arg9[%get3A_123] {strides = array<i32>} : memref<64xi32, #tpu.memory_space<vmem>>, vector<16xi32>,
    %get3A_125 = vector.shape_cast %get3A_124 : vector<16xi32> to vector<16xi32>
    %add3A_126 = vector.broadcast %mul3A_122 : i32 to vector<16xi32>
    %add3A_127 = arith.addi %get3A_125, %add3A_126 : vector<16xi32>
    %swap3A_128 = arith.constant 0 : i32
    %swap3A_129 = arith.index_cast %swap3A_128 : i32 to index
    %swap3A_130 = arith.constant 0 : index
    %swap3A_131 = tpu.vector_load %arg12[%swap3A_129, %swap3A_130] {strides = array<i32>} : memref<2x64xi32, #tpu.memory_space<vmem>>, vector<1x16xi32>,
    %swap3A_132 = vector.shape_cast %swap3A_131 : vector<1x16xi32> to vector<16xi32>
    %swap3A_133 = vector.shape_cast %add3A_127 : vector<16xi32> to vector<1x16xi32>
    tpu.vector_store %arg12[%swap3A_129, %swap3A_130], %swap3A_133 {strides = array<i32>} : memref<2x64xi32, #tpu.memory_space<vmem>>, vector<1x16xi32>,
    %get3A_134 = arith.constant 16 : index
    %get3A_135 = tpu.vector_load %arg9[%get3A_134] {strides = array<i32>} : memref<64xi32, #tpu.memory_space<vmem>>, vector<16xi32>,
    %get3A_136 = vector.shape_cast %get3A_135 : vector<16xi32> to vector<16xi32>
    %add3A_137 = vector.broadcast %mul3A_122 : i32 to vector<16xi32>
    %add3A_138 = arith.addi %get3A_136, %add3A_137 : vector<16xi32>
    %swap3A_139 = arith.constant 0 : i32
    %swap3A_140 = arith.index_cast %swap3A_139 : i32 to index
    %swap3A_141 = arith.constant 16 : index
    %swap3A_142 = tpu.vector_load %arg12[%swap3A_140, %swap3A_141] {strides = array<i32>} : memref<2x64xi32, #tpu.memory_space<vmem>>, vector<1x16xi32>,
    %swap3A_143 = vector.shape_cast %swap3A_142 : vector<1x16xi32> to vector<16xi32>
    %swap3A_144 = vector.shape_cast %add3A_138 : vector<16xi32> to vector<1x16xi32>
    tpu.vector_store %arg12[%swap3A_140, %swap3A_141], %swap3A_144 {strides = array<i32>} : memref<2x64xi32, #tpu.memory_space<vmem>>, vector<1x16xi32>,
    %get3A_145 = arith.constant 32 : index
    %get3A_146 = tpu.vector_load %arg9[%get3A_145] {strides = array<i32>} : memref<64xi32, #tpu.memory_space<vmem>>, vector<16xi32>,
    %get3A_147 = vector.shape_cast %get3A_146 : vector<16xi32> to vector<16xi32>
    %add3A_148 = vector.broadcast %mul3A_122 : i32 to vector<16xi32>
    %add3A_149 = arith.addi %get3A_147, %add3A_148 : vector<16xi32>
    %swap3A_150 = arith.constant 0 : i32
    %swap3A_151 = arith.index_cast %swap3A_150 : i32 to index
    %swap3A_152 = arith.constant 32 : index
    %swap3A_153 = tpu.vector_load %arg12[%swap3A_151, %swap3A_152] {strides = array<i32>} : memref<2x64xi32, #tpu.memory_space<vmem>>, vector<1x16xi32>,
    %swap3A_154 = vector.shape_cast %swap3A_153 : vector<1x16xi32> to vector<16xi32>
    %swap3A_155 = vector.shape_cast %add3A_149 : vector<16xi32> to vector<1x16xi32>
    tpu.vector_store %arg12[%swap3A_151, %swap3A_152], %swap3A_155 {strides = array<i32>} : memref<2x64xi32, #tpu.memory_space<vmem>>, vector<1x16xi32>,
    %get3A_156 = arith.constant 48 : index
    %get3A_157 = tpu.vector_load %arg9[%get3A_156] {strides = array<i32>} : memref<64xi32, #tpu.memory_space<vmem>>, vector<16xi32>,
    %get3A_158 = vector.shape_cast %get3A_157 : vector<16xi32> to vector<16xi32>
    %add3A_159 = vector.broadcast %mul3A_122 : i32 to vector<16xi32>
    %add3A_160 = arith.addi %get3A_158, %add3A_159 : vector<16xi32>
    %swap3A_161 = arith.constant 0 : i32
    %swap3A_162 = arith.index_cast %swap3A_161 : i32 to index
    %swap3A_163 = arith.constant 48 : index
    %swap3A_164 = tpu.vector_load %arg12[%swap3A_162, %swap3A_163] {strides = array<i32>} : memref<2x64xi32, #tpu.memory_space<vmem>>, vector<1x16xi32>,
    %swap3A_165 = vector.shape_cast %swap3A_164 : vector<1x16xi32> to vector<16xi32>
    %swap3A_166 = vector.shape_cast %add3A_160 : vector<16xi32> to vector<1x16xi32>
    tpu.vector_store %arg12[%swap3A_162, %swap3A_163], %swap3A_166 {strides = array<i32>} : memref<2x64xi32, #tpu.memory_space<vmem>>, vector<1x16xi32>,
    %mul3A_167 = arith.constant 3 : i32
    %mul3A_168 = arith.muli %select_n3A, %mul3A_167 : i32
    %add3A_169 = arith.constant 0 : i32
    %add3A_170 = arith.addi %mul3A_168, %add3A_169 : i32
    %mul3A_171 = arith.constant 16384 : i32
    %mul3A_172 = arith.muli %add3A_170, %mul3A_171 : i32
    %get3A_173 = arith.constant 0 : index
    %get3A_174 = tpu.vector_load %arg9[%get3A_173] {strides = array<i32>} : memref<64xi32, #tpu.memory_space<vmem>>, vector<16xi32>,
    %get3A_175 = vector.shape_cast %get3A_174 : vector<16xi32> to vector<16xi32>
    %add3A_176 = vector.broadcast %mul3A_172 : i32 to vector<16xi32>
    %add3A_177 = arith.addi %get3A_175, %add3A_176 : vector<16xi32>
    %swap3A_178 = arith.constant 1 : i32
    %swap3A_179 = arith.index_cast %swap3A_178 : i32 to index
    %swap3A_180 = arith.constant 0 : index
    %swap3A_181 = tpu.vector_load %arg11[%swap3A_179, %swap3A_180] {strides = array<i32>} : memref<6x128xi32, #tpu.memory_space<vmem>>, vector<1x16xi32>,
    %swap3A_182 = vector.shape_cast %swap3A_181 : vector<1x16xi32> to vector<16xi32>
    %swap3A_183 = vector.shape_cast %add3A_177 : vector<16xi32> to vector<1x16xi32>
    tpu.vector_store %arg11[%swap3A_179, %swap3A_180], %swap3A_183 {strides = array<i32>} : memref<6x128xi32, #tpu.memory_space<vmem>>, vector<1x16xi32>,
    %get3A_184 = arith.constant 16 : index
    %get3A_185 = tpu.vector_load %arg9[%get3A_184] {strides = array<i32>} : memref<64xi32, #tpu.memory_space<vmem>>, vector<16xi32>,
    %get3A_186 = vector.shape_cast %get3A_185 : vector<16xi32> to vector<16xi32>
    %add3A_187 = vector.broadcast %mul3A_172 : i32 to vector<16xi32>
    %add3A_188 = arith.addi %get3A_186, %add3A_187 : vector<16xi32>
    %swap3A_189 = arith.constant 1 : i32
    %swap3A_190 = arith.index_cast %swap3A_189 : i32 to index
    %swap3A_191 = arith.constant 16 : index
    %swap3A_192 = tpu.vector_load %arg11[%swap3A_190, %swap3A_191] {strides = array<i32>} : memref<6x128xi32, #tpu.memory_space<vmem>>, vector<1x16xi32>,
    %swap3A_193 = vector.shape_cast %swap3A_192 : vector<1x16xi32> to vector<16xi32>
    %swap3A_194 = vector.shape_cast %add3A_188 : vector<16xi32> to vector<1x16xi32>
    tpu.vector_store %arg11[%swap3A_190, %swap3A_191], %swap3A_194 {strides = array<i32>} : memref<6x128xi32, #tpu.memory_space<vmem>>, vector<1x16xi32>,
    %get3A_195 = arith.constant 32 : index
    %get3A_196 = tpu.vector_load %arg9[%get3A_195] {strides = array<i32>} : memref<64xi32, #tpu.memory_space<vmem>>, vector<16xi32>,
    %get3A_197 = vector.shape_cast %get3A_196 : vector<16xi32> to vector<16xi32>
    %add3A_198 = vector.broadcast %mul3A_172 : i32 to vector<16xi32>
    %add3A_199 = arith.addi %get3A_197, %add3A_198 : vector<16xi32>
    %swap3A_200 = arith.constant 1 : i32
    %swap3A_201 = arith.index_cast %swap3A_200 : i32 to index
    %swap3A_202 = arith.constant 32 : index
    %swap3A_203 = tpu.vector_load %arg11[%swap3A_201, %swap3A_202] {strides = array<i32>} : memref<6x128xi32, #tpu.memory_space<vmem>>, vector<1x16xi32>,
    %swap3A_204 = vector.shape_cast %swap3A_203 : vector<1x16xi32> to vector<16xi32>
    %swap3A_205 = vector.shape_cast %add3A_199 : vector<16xi32> to vector<1x16xi32>
    tpu.vector_store %arg11[%swap3A_201, %swap3A_202], %swap3A_205 {strides = array<i32>} : memref<6x128xi32, #tpu.memory_space<vmem>>, vector<1x16xi32>,
    %get3A_206 = arith.constant 48 : index
    %get3A_207 = tpu.vector_load %arg9[%get3A_206] {strides = array<i32>} : memref<64xi32, #tpu.memory_space<vmem>>, vector<16xi32>,
    %get3A_208 = vector.shape_cast %get3A_207 : vector<16xi32> to vector<16xi32>
    %add3A_209 = vector.broadcast %mul3A_172 : i32 to vector<16xi32>
    %add3A_210 = arith.addi %get3A_208, %add3A_209 : vector<16xi32>
    %swap3A_211 = arith.constant 1 : i32
    %swap3A_212 = arith.index_cast %swap3A_211 : i32 to index
    %swap3A_213 = arith.constant 48 : index
    %swap3A_214 = tpu.vector_load %arg11[%swap3A_212, %swap3A_213] {strides = array<i32>} : memref<6x128xi32, #tpu.memory_space<vmem>>, vector<1x16xi32>,
    %swap3A_215 = vector.shape_cast %swap3A_214 : vector<1x16xi32> to vector<16xi32>
    %swap3A_216 = vector.shape_cast %add3A_210 : vector<16xi32> to vector<1x16xi32>
    tpu.vector_store %arg11[%swap3A_212, %swap3A_213], %swap3A_216 {strides = array<i32>} : memref<6x128xi32, #tpu.memory_space<vmem>>, vector<1x16xi32>,
    %mul3A_217 = arith.constant 3 : i32
    %mul3A_218 = arith.muli %select_n3A, %mul3A_217 : i32
    %add3A_219 = arith.constant 1 : i32
    %add3A_220 = arith.addi %mul3A_218, %add3A_219 : i32
    %mul3A_221 = arith.constant 16384 : i32
    %mul3A_222 = arith.muli %add3A_220, %mul3A_221 : i32
    %get3A_223 = arith.constant 0 : index
    %get3A_224 = tpu.vector_load %arg9[%get3A_223] {strides = array<i32>} : memref<64xi32, #tpu.memory_space<vmem>>, vector<16xi32>,
    %get3A_225 = vector.shape_cast %get3A_224 : vector<16xi32> to vector<16xi32>
    %add3A_226 = vector.broadcast %mul3A_222 : i32 to vector<16xi32>
    %add3A_227 = arith.addi %get3A_225, %add3A_226 : vector<16xi32>
    %swap3A_228 = arith.constant 1 : i32
    %swap3A_229 = arith.index_cast %swap3A_228 : i32 to index
    %swap3A_230 = arith.constant 64 : index
    %swap3A_231 = tpu.vector_load %arg11[%swap3A_229, %swap3A_230] {strides = array<i32>} : memref<6x128xi32, #tpu.memory_space<vmem>>, vector<1x16xi32>,
    %swap3A_232 = vector.shape_cast %swap3A_231 : vector<1x16xi32> to vector<16xi32>
    %swap3A_233 = vector.shape_cast %add3A_227 : vector<16xi32> to vector<1x16xi32>
    tpu.vector_store %arg11[%swap3A_229, %swap3A_230], %swap3A_233 {strides = array<i32>} : memref<6x128xi32, #tpu.memory_space<vmem>>, vector<1x16xi32>,
    %get3A_234 = arith.constant 16 : index
    %get3A_235 = tpu.vector_load %arg9[%get3A_234] {strides = array<i32>} : memref<64xi32, #tpu.memory_space<vmem>>, vector<16xi32>,
    %get3A_236 = vector.shape_cast %get3A_235 : vector<16xi32> to vector<16xi32>
    %add3A_237 = vector.broadcast %mul3A_222 : i32 to vector<16xi32>
    %add3A_238 = arith.addi %get3A_236, %add3A_237 : vector<16xi32>
    %swap3A_239 = arith.constant 1 : i32
    %swap3A_240 = arith.index_cast %swap3A_239 : i32 to index
    %swap3A_241 = arith.constant 80 : index
    %swap3A_242 = tpu.vector_load %arg11[%swap3A_240, %swap3A_241] {strides = array<i32>} : memref<6x128xi32, #tpu.memory_space<vmem>>, vector<1x16xi32>,
    %swap3A_243 = vector.shape_cast %swap3A_242 : vector<1x16xi32> to vector<16xi32>
    %swap3A_244 = vector.shape_cast %add3A_238 : vector<16xi32> to vector<1x16xi32>
    tpu.vector_store %arg11[%swap3A_240, %swap3A_241], %swap3A_244 {strides = array<i32>} : memref<6x128xi32, #tpu.memory_space<vmem>>, vector<1x16xi32>,
    %get3A_245 = arith.constant 32 : index
    %get3A_246 = tpu.vector_load %arg9[%get3A_245] {strides = array<i32>} : memref<64xi32, #tpu.memory_space<vmem>>, vector<16xi32>,
    %get3A_247 = vector.shape_cast %get3A_246 : vector<16xi32> to vector<16xi32>
    %add3A_248 = vector.broadcast %mul3A_222 : i32 to vector<16xi32>
    %add3A_249 = arith.addi %get3A_247, %add3A_248 : vector<16xi32>
    %swap3A_250 = arith.constant 1 : i32
    %swap3A_251 = arith.index_cast %swap3A_250 : i32 to index
    %swap3A_252 = arith.constant 96 : index
    %swap3A_253 = tpu.vector_load %arg11[%swap3A_251, %swap3A_252] {strides = array<i32>} : memref<6x128xi32, #tpu.memory_space<vmem>>, vector<1x16xi32>,
    %swap3A_254 = vector.shape_cast %swap3A_253 : vector<1x16xi32> to vector<16xi32>
    %swap3A_255 = vector.shape_cast %add3A_249 : vector<16xi32> to vector<1x16xi32>
    tpu.vector_store %arg11[%swap3A_251, %swap3A_252], %swap3A_255 {strides = array<i32>} : memref<6x128xi32, #tpu.memory_space<vmem>>, vector<1x16xi32>,
    %get3A_256 = arith.constant 48 : index
    %get3A_257 = tpu.vector_load %arg9[%get3A_256] {strides = array<i32>} : memref<64xi32, #tpu.memory_space<vmem>>, vector<16xi32>,
    %get3A_258 = vector.shape_cast %get3A_257 : vector<16xi32> to vector<16xi32>
    %add3A_259 = vector.broadcast %mul3A_222 : i32 to vector<16xi32>
    %add3A_260 = arith.addi %get3A_258, %add3A_259 : vector<16xi32>
    %swap3A_261 = arith.constant 1 : i32
    %swap3A_262 = arith.index_cast %swap3A_261 : i32 to index
    %swap3A_263 = arith.constant 112 : index
    %swap3A_264 = tpu.vector_load %arg11[%swap3A_262, %swap3A_263] {strides = array<i32>} : memref<6x128xi32, #tpu.memory_space<vmem>>, vector<1x16xi32>,
    %swap3A_265 = vector.shape_cast %swap3A_264 : vector<1x16xi32> to vector<16xi32>
    %swap3A_266 = vector.shape_cast %add3A_260 : vector<16xi32> to vector<1x16xi32>
    tpu.vector_store %arg11[%swap3A_262, %swap3A_263], %swap3A_266 {strides = array<i32>} : memref<6x128xi32, #tpu.memory_space<vmem>>, vector<1x16xi32>,
    %mul3A_267 = arith.constant 3 : i32
    %mul3A_268 = arith.muli %select_n3A, %mul3A_267 : i32
    %add3A_269 = arith.constant 2 : i32
    %add3A_270 = arith.addi %mul3A_268, %add3A_269 : i32
    %mul3A_271 = arith.constant 16384 : i32
    %mul3A_272 = arith.muli %add3A_270, %mul3A_271 : i32
    %get3A_273 = arith.constant 0 : index
    %get3A_274 = tpu.vector_load %arg9[%get3A_273] {strides = array<i32>} : memref<64xi32, #tpu.memory_space<vmem>>, vector<16xi32>,
    %get3A_275 = vector.shape_cast %get3A_274 : vector<16xi32> to vector<16xi32>
    %add3A_276 = vector.broadcast %mul3A_272 : i32 to vector<16xi32>
    %add3A_277 = arith.addi %get3A_275, %add3A_276 : vector<16xi32>
    %swap3A_278 = arith.constant 1 : i32
    %swap3A_279 = arith.index_cast %swap3A_278 : i32 to index
    %swap3A_280 = arith.constant 0 : index
    %swap3A_281 = tpu.vector_load %arg12[%swap3A_279, %swap3A_280] {strides = array<i32>} : memref<2x64xi32, #tpu.memory_space<vmem>>, vector<1x16xi32>,
    %swap3A_282 = vector.shape_cast %swap3A_281 : vector<1x16xi32> to vector<16xi32>
    %swap3A_283 = vector.shape_cast %add3A_277 : vector<16xi32> to vector<1x16xi32>
    tpu.vector_store %arg12[%swap3A_279, %swap3A_280], %swap3A_283 {strides = array<i32>} : memref<2x64xi32, #tpu.memory_space<vmem>>, vector<1x16xi32>,
    %get3A_284 = arith.constant 16 : index
    %get3A_285 = tpu.vector_load %arg9[%get3A_284] {strides = array<i32>} : memref<64xi32, #tpu.memory_space<vmem>>, vector<16xi32>,
    %get3A_286 = vector.shape_cast %get3A_285 : vector<16xi32> to vector<16xi32>
    %add3A_287 = vector.broadcast %mul3A_272 : i32 to vector<16xi32>
    %add3A_288 = arith.addi %get3A_286, %add3A_287 : vector<16xi32>
    %swap3A_289 = arith.constant 1 : i32
    %swap3A_290 = arith.index_cast %swap3A_289 : i32 to index
    %swap3A_291 = arith.constant 16 : index
    %swap3A_292 = tpu.vector_load %arg12[%swap3A_290, %swap3A_291] {strides = array<i32>} : memref<2x64xi32, #tpu.memory_space<vmem>>, vector<1x16xi32>,
    %swap3A_293 = vector.shape_cast %swap3A_292 : vector<1x16xi32> to vector<16xi32>
    %swap3A_294 = vector.shape_cast %add3A_288 : vector<16xi32> to vector<1x16xi32>
    tpu.vector_store %arg12[%swap3A_290, %swap3A_291], %swap3A_294 {strides = array<i32>} : memref<2x64xi32, #tpu.memory_space<vmem>>, vector<1x16xi32>,
    %get3A_295 = arith.constant 32 : index
    %get3A_296 = tpu.vector_load %arg9[%get3A_295] {strides = array<i32>} : memref<64xi32, #tpu.memory_space<vmem>>, vector<16xi32>,
    %get3A_297 = vector.shape_cast %get3A_296 : vector<16xi32> to vector<16xi32>
    %add3A_298 = vector.broadcast %mul3A_272 : i32 to vector<16xi32>
    %add3A_299 = arith.addi %get3A_297, %add3A_298 : vector<16xi32>
    %swap3A_300 = arith.constant 1 : i32
    %swap3A_301 = arith.index_cast %swap3A_300 : i32 to index
    %swap3A_302 = arith.constant 32 : index
    %swap3A_303 = tpu.vector_load %arg12[%swap3A_301, %swap3A_302] {strides = array<i32>} : memref<2x64xi32, #tpu.memory_space<vmem>>, vector<1x16xi32>,
    %swap3A_304 = vector.shape_cast %swap3A_303 : vector<1x16xi32> to vector<16xi32>
    %swap3A_305 = vector.shape_cast %add3A_299 : vector<16xi32> to vector<1x16xi32>
    tpu.vector_store %arg12[%swap3A_301, %swap3A_302], %swap3A_305 {strides = array<i32>} : memref<2x64xi32, #tpu.memory_space<vmem>>, vector<1x16xi32>,
    %get3A_306 = arith.constant 48 : index
    %get3A_307 = tpu.vector_load %arg9[%get3A_306] {strides = array<i32>} : memref<64xi32, #tpu.memory_space<vmem>>, vector<16xi32>,
    %get3A_308 = vector.shape_cast %get3A_307 : vector<16xi32> to vector<16xi32>
    %add3A_309 = vector.broadcast %mul3A_272 : i32 to vector<16xi32>
    %add3A_310 = arith.addi %get3A_308, %add3A_309 : vector<16xi32>
    %swap3A_311 = arith.constant 1 : i32
    %swap3A_312 = arith.index_cast %swap3A_311 : i32 to index
    %swap3A_313 = arith.constant 48 : index
    %swap3A_314 = tpu.vector_load %arg12[%swap3A_312, %swap3A_313] {strides = array<i32>} : memref<2x64xi32, #tpu.memory_space<vmem>>, vector<1x16xi32>,
    %swap3A_315 = vector.shape_cast %swap3A_314 : vector<1x16xi32> to vector<16xi32>
    %swap3A_316 = vector.shape_cast %add3A_310 : vector<16xi32> to vector<1x16xi32>
    tpu.vector_store %arg12[%swap3A_312, %swap3A_313], %swap3A_316 {strides = array<i32>} : memref<2x64xi32, #tpu.memory_space<vmem>>, vector<1x16xi32>,
    %mul3A_317 = arith.constant 8 : i32
    %mul3A_318 = arith.muli %select_n3A, %mul3A_317 : i32
    %add3A_319 = arith.constant 0 : i32
    %add3A_320 = arith.addi %mul3A_318, %add3A_319 : i32
    %mul3A_321 = arith.constant 16384 : i32
    %mul3A_322 = arith.muli %add3A_320, %mul3A_321 : i32
    %get3A_323 = arith.constant 0 : index
    %get3A_324 = tpu.vector_load %arg9[%get3A_323] {strides = array<i32>} : memref<64xi32, #tpu.memory_space<vmem>>, vector<16xi32>,
    %get3A_325 = vector.shape_cast %get3A_324 : vector<16xi32> to vector<16xi32>
    %add3A_326 = vector.broadcast %mul3A_322 : i32 to vector<16xi32>
    %add3A_327 = arith.addi %get3A_325, %add3A_326 : vector<16xi32>
    %swap3A_328 = arith.constant 2 : i32
    %swap3A_329 = arith.index_cast %swap3A_328 : i32 to index
    %swap3A_330 = arith.constant 0 : index
    %swap3A_331 = tpu.vector_load %arg11[%swap3A_329, %swap3A_330] {strides = array<i32>} : memref<6x128xi32, #tpu.memory_space<vmem>>, vector<1x16xi32>,
    %swap3A_332 = vector.shape_cast %swap3A_331 : vector<1x16xi32> to vector<16xi32>
    %swap3A_333 = vector.shape_cast %add3A_327 : vector<16xi32> to vector<1x16xi32>
    tpu.vector_store %arg11[%swap3A_329, %swap3A_330], %swap3A_333 {strides = array<i32>} : memref<6x128xi32, #tpu.memory_space<vmem>>, vector<1x16xi32>,
    %get3A_334 = arith.constant 16 : index
    %get3A_335 = tpu.vector_load %arg9[%get3A_334] {strides = array<i32>} : memref<64xi32, #tpu.memory_space<vmem>>, vector<16xi32>,
    %get3A_336 = vector.shape_cast %get3A_335 : vector<16xi32> to vector<16xi32>
    %add3A_337 = vector.broadcast %mul3A_322 : i32 to vector<16xi32>
    %add3A_338 = arith.addi %get3A_336, %add3A_337 : vector<16xi32>
    %swap3A_339 = arith.constant 2 : i32
    %swap3A_340 = arith.index_cast %swap3A_339 : i32 to index
    %swap3A_341 = arith.constant 16 : index
    %swap3A_342 = tpu.vector_load %arg11[%swap3A_340, %swap3A_341] {strides = array<i32>} : memref<6x128xi32, #tpu.memory_space<vmem>>, vector<1x16xi32>,
    %swap3A_343 = vector.shape_cast %swap3A_342 : vector<1x16xi32> to vector<16xi32>
    %swap3A_344 = vector.shape_cast %add3A_338 : vector<16xi32> to vector<1x16xi32>
    tpu.vector_store %arg11[%swap3A_340, %swap3A_341], %swap3A_344 {strides = array<i32>} : memref<6x128xi32, #tpu.memory_space<vmem>>, vector<1x16xi32>,
    %get3A_345 = arith.constant 32 : index
    %get3A_346 = tpu.vector_load %arg9[%get3A_345] {strides = array<i32>} : memref<64xi32, #tpu.memory_space<vmem>>, vector<16xi32>,
    %get3A_347 = vector.shape_cast %get3A_346 : vector<16xi32> to vector<16xi32>
    %add3A_348 = vector.broadcast %mul3A_322 : i32 to vector<16xi32>
    %add3A_349 = arith.addi %get3A_347, %add3A_348 : vector<16xi32>
    %swap3A_350 = arith.constant 2 : i32
    %swap3A_351 = arith.index_cast %swap3A_350 : i32 to index
    %swap3A_352 = arith.constant 32 : index
    %swap3A_353 = tpu.vector_load %arg11[%swap3A_351, %swap3A_352] {strides = array<i32>} : memref<6x128xi32, #tpu.memory_space<vmem>>, vector<1x16xi32>,
    %swap3A_354 = vector.shape_cast %swap3A_353 : vector<1x16xi32> to vector<16xi32>
    %swap3A_355 = vector.shape_cast %add3A_349 : vector<16xi32> to vector<1x16xi32>
    tpu.vector_store %arg11[%swap3A_351, %swap3A_352], %swap3A_355 {strides = array<i32>} : memref<6x128xi32, #tpu.memory_space<vmem>>, vector<1x16xi32>,
    %get3A_356 = arith.constant 48 : index
    %get3A_357 = tpu.vector_load %arg9[%get3A_356] {strides = array<i32>} : memref<64xi32, #tpu.memory_space<vmem>>, vector<16xi32>,
    %get3A_358 = vector.shape_cast %get3A_357 : vector<16xi32> to vector<16xi32>
    %add3A_359 = vector.broadcast %mul3A_322 : i32 to vector<16xi32>
    %add3A_360 = arith.addi %get3A_358, %add3A_359 : vector<16xi32>
    %swap3A_361 = arith.constant 2 : i32
    %swap3A_362 = arith.index_cast %swap3A_361 : i32 to index
    %swap3A_363 = arith.constant 48 : index
    %swap3A_364 = tpu.vector_load %arg11[%swap3A_362, %swap3A_363] {strides = array<i32>} : memref<6x128xi32, #tpu.memory_space<vmem>>, vector<1x16xi32>,
    %swap3A_365 = vector.shape_cast %swap3A_364 : vector<1x16xi32> to vector<16xi32>
    %swap3A_366 = vector.shape_cast %add3A_360 : vector<16xi32> to vector<1x16xi32>
    tpu.vector_store %arg11[%swap3A_362, %swap3A_363], %swap3A_366 {strides = array<i32>} : memref<6x128xi32, #tpu.memory_space<vmem>>, vector<1x16xi32>,
    %mul3A_367 = arith.constant 8 : i32
    %mul3A_368 = arith.muli %select_n3A, %mul3A_367 : i32
    %add3A_369 = arith.constant 1 : i32
    %add3A_370 = arith.addi %mul3A_368, %add3A_369 : i32
    %mul3A_371 = arith.constant 16384 : i32
    %mul3A_372 = arith.muli %add3A_370, %mul3A_371 : i32
    %get3A_373 = arith.constant 0 : index
    %get3A_374 = tpu.vector_load %arg9[%get3A_373] {strides = array<i32>} : memref<64xi32, #tpu.memory_space<vmem>>, vector<16xi32>,
    %get3A_375 = vector.shape_cast %get3A_374 : vector<16xi32> to vector<16xi32>
    %add3A_376 = vector.broadcast %mul3A_372 : i32 to vector<16xi32>
    %add3A_377 = arith.addi %get3A_375, %add3A_376 : vector<16xi32>
    %swap3A_378 = arith.constant 2 : i32
    %swap3A_379 = arith.index_cast %swap3A_378 : i32 to index
    %swap3A_380 = arith.constant 64 : index
    %swap3A_381 = tpu.vector_load %arg11[%swap3A_379, %swap3A_380] {strides = array<i32>} : memref<6x128xi32, #tpu.memory_space<vmem>>, vector<1x16xi32>,
    %swap3A_382 = vector.shape_cast %swap3A_381 : vector<1x16xi32> to vector<16xi32>
    %swap3A_383 = vector.shape_cast %add3A_377 : vector<16xi32> to vector<1x16xi32>
    tpu.vector_store %arg11[%swap3A_379, %swap3A_380], %swap3A_383 {strides = array<i32>} : memref<6x128xi32, #tpu.memory_space<vmem>>, vector<1x16xi32>,
    %get3A_384 = arith.constant 16 : index
    %get3A_385 = tpu.vector_load %arg9[%get3A_384] {strides = array<i32>} : memref<64xi32, #tpu.memory_space<vmem>>, vector<16xi32>,
    %get3A_386 = vector.shape_cast %get3A_385 : vector<16xi32> to vector<16xi32>
    %add3A_387 = vector.broadcast %mul3A_372 : i32 to vector<16xi32>
    %add3A_388 = arith.addi %get3A_386, %add3A_387 : vector<16xi32>
    %swap3A_389 = arith.constant 2 : i32
    %swap3A_390 = arith.index_cast %swap3A_389 : i32 to index
    %swap3A_391 = arith.constant 80 : index
    %swap3A_392 = tpu.vector_load %arg11[%swap3A_390, %swap3A_391] {strides = array<i32>} : memref<6x128xi32, #tpu.memory_space<vmem>>, vector<1x16xi32>,
    %swap3A_393 = vector.shape_cast %swap3A_392 : vector<1x16xi32> to vector<16xi32>
    %swap3A_394 = vector.shape_cast %add3A_388 : vector<16xi32> to vector<1x16xi32>
    tpu.vector_store %arg11[%swap3A_390, %swap3A_391], %swap3A_394 {strides = array<i32>} : memref<6x128xi32, #tpu.memory_space<vmem>>, vector<1x16xi32>,
    %get3A_395 = arith.constant 32 : index
    %get3A_396 = tpu.vector_load %arg9[%get3A_395] {strides = array<i32>} : memref<64xi32, #tpu.memory_space<vmem>>, vector<16xi32>,
    %get3A_397 = vector.shape_cast %get3A_396 : vector<16xi32> to vector<16xi32>
    %add3A_398 = vector.broadcast %mul3A_372 : i32 to vector<16xi32>
    %add3A_399 = arith.addi %get3A_397, %add3A_398 : vector<16xi32>
    %swap3A_400 = arith.constant 2 : i32
    %swap3A_401 = arith.index_cast %swap3A_400 : i32 to index
    %swap3A_402 = arith.constant 96 : index
    %swap3A_403 = tpu.vector_load %arg11[%swap3A_401, %swap3A_402] {strides = array<i32>} : memref<6x128xi32, #tpu.memory_space<vmem>>, vector<1x16xi32>,
    %swap3A_404 = vector.shape_cast %swap3A_403 : vector<1x16xi32> to vector<16xi32>
    %swap3A_405 = vector.shape_cast %add3A_399 : vector<16xi32> to vector<1x16xi32>
    tpu.vector_store %arg11[%swap3A_401, %swap3A_402], %swap3A_405 {strides = array<i32>} : memref<6x128xi32, #tpu.memory_space<vmem>>, vector<1x16xi32>,
    %get3A_406 = arith.constant 48 : index
    %get3A_407 = tpu.vector_load %arg9[%get3A_406] {strides = array<i32>} : memref<64xi32, #tpu.memory_space<vmem>>, vector<16xi32>,
    %get3A_408 = vector.shape_cast %get3A_407 : vector<16xi32> to vector<16xi32>
    %add3A_409 = vector.broadcast %mul3A_372 : i32 to vector<16xi32>
    %add3A_410 = arith.addi %get3A_408, %add3A_409 : vector<16xi32>
    %swap3A_411 = arith.constant 2 : i32
    %swap3A_412 = arith.index_cast %swap3A_411 : i32 to index
    %swap3A_413 = arith.constant 112 : index
    %swap3A_414 = tpu.vector_load %arg11[%swap3A_412, %swap3A_413] {strides = array<i32>} : memref<6x128xi32, #tpu.memory_space<vmem>>, vector<1x16xi32>,
    %swap3A_415 = vector.shape_cast %swap3A_414 : vector<1x16xi32> to vector<16xi32>
    %swap3A_416 = vector.shape_cast %add3A_410 : vector<16xi32> to vector<1x16xi32>
    tpu.vector_store %arg11[%swap3A_412, %swap3A_413], %swap3A_416 {strides = array<i32>} : memref<6x128xi32, #tpu.memory_space<vmem>>, vector<1x16xi32>,
    %mul3A_417 = arith.constant 8 : i32
    %mul3A_418 = arith.muli %select_n3A, %mul3A_417 : i32
    %add3A_419 = arith.constant 2 : i32
    %add3A_420 = arith.addi %mul3A_418, %add3A_419 : i32
    %mul3A_421 = arith.constant 16384 : i32
    %mul3A_422 = arith.muli %add3A_420, %mul3A_421 : i32
    %get3A_423 = arith.constant 0 : index
    %get3A_424 = tpu.vector_load %arg9[%get3A_423] {strides = array<i32>} : memref<64xi32, #tpu.memory_space<vmem>>, vector<16xi32>,
    %get3A_425 = vector.shape_cast %get3A_424 : vector<16xi32> to vector<16xi32>
    %add3A_426 = vector.broadcast %mul3A_422 : i32 to vector<16xi32>
    %add3A_427 = arith.addi %get3A_425, %add3A_426 : vector<16xi32>
    %swap3A_428 = arith.constant 3 : i32
    %swap3A_429 = arith.index_cast %swap3A_428 : i32 to index
    %swap3A_430 = arith.constant 0 : index
    %swap3A_431 = tpu.vector_load %arg11[%swap3A_429, %swap3A_430] {strides = array<i32>} : memref<6x128xi32, #tpu.memory_space<vmem>>, vector<1x16xi32>,
    %swap3A_432 = vector.shape_cast %swap3A_431 : vector<1x16xi32> to vector<16xi32>
    %swap3A_433 = vector.shape_cast %add3A_427 : vector<16xi32> to vector<1x16xi32>
    tpu.vector_store %arg11[%swap3A_429, %swap3A_430], %swap3A_433 {strides = array<i32>} : memref<6x128xi32, #tpu.memory_space<vmem>>, vector<1x16xi32>,
    %get3A_434 = arith.constant 16 : index
    %get3A_435 = tpu.vector_load %arg9[%get3A_434] {strides = array<i32>} : memref<64xi32, #tpu.memory_space<vmem>>, vector<16xi32>,
    %get3A_436 = vector.shape_cast %get3A_435 : vector<16xi32> to vector<16xi32>
    %add3A_437 = vector.broadcast %mul3A_422 : i32 to vector<16xi32>
    %add3A_438 = arith.addi %get3A_436, %add3A_437 : vector<16xi32>
    %swap3A_439 = arith.constant 3 : i32
    %swap3A_440 = arith.index_cast %swap3A_439 : i32 to index
    %swap3A_441 = arith.constant 16 : index
    %swap3A_442 = tpu.vector_load %arg11[%swap3A_440, %swap3A_441] {strides = array<i32>} : memref<6x128xi32, #tpu.memory_space<vmem>>, vector<1x16xi32>,
    %swap3A_443 = vector.shape_cast %swap3A_442 : vector<1x16xi32> to vector<16xi32>
    %swap3A_444 = vector.shape_cast %add3A_438 : vector<16xi32> to vector<1x16xi32>
    tpu.vector_store %arg11[%swap3A_440, %swap3A_441], %swap3A_444 {strides = array<i32>} : memref<6x128xi32, #tpu.memory_space<vmem>>, vector<1x16xi32>,
    %get3A_445 = arith.constant 32 : index
    %get3A_446 = tpu.vector_load %arg9[%get3A_445] {strides = array<i32>} : memref<64xi32, #tpu.memory_space<vmem>>, vector<16xi32>,
    %get3A_447 = vector.shape_cast %get3A_446 : vector<16xi32> to vector<16xi32>
    %add3A_448 = vector.broadcast %mul3A_422 : i32 to vector<16xi32>
    %add3A_449 = arith.addi %get3A_447, %add3A_448 : vector<16xi32>
    %swap3A_450 = arith.constant 3 : i32
    %swap3A_451 = arith.index_cast %swap3A_450 : i32 to index
    %swap3A_452 = arith.constant 32 : index
    %swap3A_453 = tpu.vector_load %arg11[%swap3A_451, %swap3A_452] {strides = array<i32>} : memref<6x128xi32, #tpu.memory_space<vmem>>, vector<1x16xi32>,
    %swap3A_454 = vector.shape_cast %swap3A_453 : vector<1x16xi32> to vector<16xi32>
    %swap3A_455 = vector.shape_cast %add3A_449 : vector<16xi32> to vector<1x16xi32>
    tpu.vector_store %arg11[%swap3A_451, %swap3A_452], %swap3A_455 {strides = array<i32>} : memref<6x128xi32, #tpu.memory_space<vmem>>, vector<1x16xi32>,
    %get3A_456 = arith.constant 48 : index
    %get3A_457 = tpu.vector_load %arg9[%get3A_456] {strides = array<i32>} : memref<64xi32, #tpu.memory_space<vmem>>, vector<16xi32>,
    %get3A_458 = vector.shape_cast %get3A_457 : vector<16xi32> to vector<16xi32>
    %add3A_459 = vector.broadcast %mul3A_422 : i32 to vector<16xi32>
    %add3A_460 = arith.addi %get3A_458, %add3A_459 : vector<16xi32>
    %swap3A_461 = arith.constant 3 : i32
    %swap3A_462 = arith.index_cast %swap3A_461 : i32 to index
    %swap3A_463 = arith.constant 48 : index
    %swap3A_464 = tpu.vector_load %arg11[%swap3A_462, %swap3A_463] {strides = array<i32>} : memref<6x128xi32, #tpu.memory_space<vmem>>, vector<1x16xi32>,
    %swap3A_465 = vector.shape_cast %swap3A_464 : vector<1x16xi32> to vector<16xi32>
    %swap3A_466 = vector.shape_cast %add3A_460 : vector<16xi32> to vector<1x16xi32>
    tpu.vector_store %arg11[%swap3A_462, %swap3A_463], %swap3A_466 {strides = array<i32>} : memref<6x128xi32, #tpu.memory_space<vmem>>, vector<1x16xi32>,
    %mul3A_467 = arith.constant 8 : i32
    %mul3A_468 = arith.muli %select_n3A, %mul3A_467 : i32
    %add3A_469 = arith.constant 3 : i32
    %add3A_470 = arith.addi %mul3A_468, %add3A_469 : i32
    %mul3A_471 = arith.constant 16384 : i32
    %mul3A_472 = arith.muli %add3A_470, %mul3A_471 : i32
    %get3A_473 = arith.constant 0 : index
    %get3A_474 = tpu.vector_load %arg9[%get3A_473] {strides = array<i32>} : memref<64xi32, #tpu.memory_space<vmem>>, vector<16xi32>,
    %get3A_475 = vector.shape_cast %get3A_474 : vector<16xi32> to vector<16xi32>
    %add3A_476 = vector.broadcast %mul3A_472 : i32 to vector<16xi32>
    %add3A_477 = arith.addi %get3A_475, %add3A_476 : vector<16xi32>
    %swap3A_478 = arith.constant 3 : i32
    %swap3A_479 = arith.index_cast %swap3A_478 : i32 to index
    %swap3A_480 = arith.constant 64 : index
    %swap3A_481 = tpu.vector_load %arg11[%swap3A_479, %swap3A_480] {strides = array<i32>} : memref<6x128xi32, #tpu.memory_space<vmem>>, vector<1x16xi32>,
    %swap3A_482 = vector.shape_cast %swap3A_481 : vector<1x16xi32> to vector<16xi32>
    %swap3A_483 = vector.shape_cast %add3A_477 : vector<16xi32> to vector<1x16xi32>
    tpu.vector_store %arg11[%swap3A_479, %swap3A_480], %swap3A_483 {strides = array<i32>} : memref<6x128xi32, #tpu.memory_space<vmem>>, vector<1x16xi32>,
    %get3A_484 = arith.constant 16 : index
    %get3A_485 = tpu.vector_load %arg9[%get3A_484] {strides = array<i32>} : memref<64xi32, #tpu.memory_space<vmem>>, vector<16xi32>,
    %get3A_486 = vector.shape_cast %get3A_485 : vector<16xi32> to vector<16xi32>
    %add3A_487 = vector.broadcast %mul3A_472 : i32 to vector<16xi32>
    %add3A_488 = arith.addi %get3A_486, %add3A_487 : vector<16xi32>
    %swap3A_489 = arith.constant 3 : i32
    %swap3A_490 = arith.index_cast %swap3A_489 : i32 to index
    %swap3A_491 = arith.constant 80 : index
    %swap3A_492 = tpu.vector_load %arg11[%swap3A_490, %swap3A_491] {strides = array<i32>} : memref<6x128xi32, #tpu.memory_space<vmem>>, vector<1x16xi32>,
    %swap3A_493 = vector.shape_cast %swap3A_492 : vector<1x16xi32> to vector<16xi32>
    %swap3A_494 = vector.shape_cast %add3A_488 : vector<16xi32> to vector<1x16xi32>
    tpu.vector_store %arg11[%swap3A_490, %swap3A_491], %swap3A_494 {strides = array<i32>} : memref<6x128xi32, #tpu.memory_space<vmem>>, vector<1x16xi32>,
    %get3A_495 = arith.constant 32 : index
    %get3A_496 = tpu.vector_load %arg9[%get3A_495] {strides = array<i32>} : memref<64xi32, #tpu.memory_space<vmem>>, vector<16xi32>,
    %get3A_497 = vector.shape_cast %get3A_496 : vector<16xi32> to vector<16xi32>
    %add3A_498 = vector.broadcast %mul3A_472 : i32 to vector<16xi32>
    %add3A_499 = arith.addi %get3A_497, %add3A_498 : vector<16xi32>
    %swap3A_500 = arith.constant 3 : i32
    %swap3A_501 = arith.index_cast %swap3A_500 : i32 to index
    %swap3A_502 = arith.constant 96 : index
    %swap3A_503 = tpu.vector_load %arg11[%swap3A_501, %swap3A_502] {strides = array<i32>} : memref<6x128xi32, #tpu.memory_space<vmem>>, vector<1x16xi32>,
    %swap3A_504 = vector.shape_cast %swap3A_503 : vector<1x16xi32> to vector<16xi32>
    %swap3A_505 = vector.shape_cast %add3A_499 : vector<16xi32> to vector<1x16xi32>
    tpu.vector_store %arg11[%swap3A_501, %swap3A_502], %swap3A_505 {strides = array<i32>} : memref<6x128xi32, #tpu.memory_space<vmem>>, vector<1x16xi32>,
    %get3A_506 = arith.constant 48 : index
    %get3A_507 = tpu.vector_load %arg9[%get3A_506] {strides = array<i32>} : memref<64xi32, #tpu.memory_space<vmem>>, vector<16xi32>,
    %get3A_508 = vector.shape_cast %get3A_507 : vector<16xi32> to vector<16xi32>
    %add3A_509 = vector.broadcast %mul3A_472 : i32 to vector<16xi32>
    %add3A_510 = arith.addi %get3A_508, %add3A_509 : vector<16xi32>
    %swap3A_511 = arith.constant 3 : i32
    %swap3A_512 = arith.index_cast %swap3A_511 : i32 to index
    %swap3A_513 = arith.constant 112 : index
    %swap3A_514 = tpu.vector_load %arg11[%swap3A_512, %swap3A_513] {strides = array<i32>} : memref<6x128xi32, #tpu.memory_space<vmem>>, vector<1x16xi32>,
    %swap3A_515 = vector.shape_cast %swap3A_514 : vector<1x16xi32> to vector<16xi32>
    %swap3A_516 = vector.shape_cast %add3A_510 : vector<16xi32> to vector<1x16xi32>
    tpu.vector_store %arg11[%swap3A_512, %swap3A_513], %swap3A_516 {strides = array<i32>} : memref<6x128xi32, #tpu.memory_space<vmem>>, vector<1x16xi32>,
    %mul3A_517 = arith.constant 8 : i32
    %mul3A_518 = arith.muli %select_n3A, %mul3A_517 : i32
    %add3A_519 = arith.constant 4 : i32
    %add3A_520 = arith.addi %mul3A_518, %add3A_519 : i32
    %mul3A_521 = arith.constant 16384 : i32
    %mul3A_522 = arith.muli %add3A_520, %mul3A_521 : i32
    %get3A_523 = arith.constant 0 : index
    %get3A_524 = tpu.vector_load %arg9[%get3A_523] {strides = array<i32>} : memref<64xi32, #tpu.memory_space<vmem>>, vector<16xi32>,
    %get3A_525 = vector.shape_cast %get3A_524 : vector<16xi32> to vector<16xi32>
    %add3A_526 = vector.broadcast %mul3A_522 : i32 to vector<16xi32>
    %add3A_527 = arith.addi %get3A_525, %add3A_526 : vector<16xi32>
    %swap3A_528 = arith.constant 4 : i32
    %swap3A_529 = arith.index_cast %swap3A_528 : i32 to index
    %swap3A_530 = arith.constant 0 : index
    %swap3A_531 = tpu.vector_load %arg11[%swap3A_529, %swap3A_530] {strides = array<i32>} : memref<6x128xi32, #tpu.memory_space<vmem>>, vector<1x16xi32>,
    %swap3A_532 = vector.shape_cast %swap3A_531 : vector<1x16xi32> to vector<16xi32>
    %swap3A_533 = vector.shape_cast %add3A_527 : vector<16xi32> to vector<1x16xi32>
    tpu.vector_store %arg11[%swap3A_529, %swap3A_530], %swap3A_533 {strides = array<i32>} : memref<6x128xi32, #tpu.memory_space<vmem>>, vector<1x16xi32>,
    %get3A_534 = arith.constant 16 : index
    %get3A_535 = tpu.vector_load %arg9[%get3A_534] {strides = array<i32>} : memref<64xi32, #tpu.memory_space<vmem>>, vector<16xi32>,
    %get3A_536 = vector.shape_cast %get3A_535 : vector<16xi32> to vector<16xi32>
    %add3A_537 = vector.broadcast %mul3A_522 : i32 to vector<16xi32>
    %add3A_538 = arith.addi %get3A_536, %add3A_537 : vector<16xi32>
    %swap3A_539 = arith.constant 4 : i32
    %swap3A_540 = arith.index_cast %swap3A_539 : i32 to index
    %swap3A_541 = arith.constant 16 : index
    %swap3A_542 = tpu.vector_load %arg11[%swap3A_540, %swap3A_541] {strides = array<i32>} : memref<6x128xi32, #tpu.memory_space<vmem>>, vector<1x16xi32>,
    %swap3A_543 = vector.shape_cast %swap3A_542 : vector<1x16xi32> to vector<16xi32>
    %swap3A_544 = vector.shape_cast %add3A_538 : vector<16xi32> to vector<1x16xi32>
    tpu.vector_store %arg11[%swap3A_540, %swap3A_541], %swap3A_544 {strides = array<i32>} : memref<6x128xi32, #tpu.memory_space<vmem>>, vector<1x16xi32>,
    %get3A_545 = arith.constant 32 : index
    %get3A_546 = tpu.vector_load %arg9[%get3A_545] {strides = array<i32>} : memref<64xi32, #tpu.memory_space<vmem>>, vector<16xi32>,
    %get3A_547 = vector.shape_cast %get3A_546 : vector<16xi32> to vector<16xi32>
    %add3A_548 = vector.broadcast %mul3A_522 : i32 to vector<16xi32>
    %add3A_549 = arith.addi %get3A_547, %add3A_548 : vector<16xi32>
    %swap3A_550 = arith.constant 4 : i32
    %swap3A_551 = arith.index_cast %swap3A_550 : i32 to index
    %swap3A_552 = arith.constant 32 : index
    %swap3A_553 = tpu.vector_load %arg11[%swap3A_551, %swap3A_552] {strides = array<i32>} : memref<6x128xi32, #tpu.memory_space<vmem>>, vector<1x16xi32>,
    %swap3A_554 = vector.shape_cast %swap3A_553 : vector<1x16xi32> to vector<16xi32>
    %swap3A_555 = vector.shape_cast %add3A_549 : vector<16xi32> to vector<1x16xi32>
    tpu.vector_store %arg11[%swap3A_551, %swap3A_552], %swap3A_555 {strides = array<i32>} : memref<6x128xi32, #tpu.memory_space<vmem>>, vector<1x16xi32>,
    %get3A_556 = arith.constant 48 : index
    %get3A_557 = tpu.vector_load %arg9[%get3A_556] {strides = array<i32>} : memref<64xi32, #tpu.memory_space<vmem>>, vector<16xi32>,
    %get3A_558 = vector.shape_cast %get3A_557 : vector<16xi32> to vector<16xi32>
    %add3A_559 = vector.broadcast %mul3A_522 : i32 to vector<16xi32>
    %add3A_560 = arith.addi %get3A_558, %add3A_559 : vector<16xi32>
    %swap3A_561 = arith.constant 4 : i32
    %swap3A_562 = arith.index_cast %swap3A_561 : i32 to index
    %swap3A_563 = arith.constant 48 : index
    %swap3A_564 = tpu.vector_load %arg11[%swap3A_562, %swap3A_563] {strides = array<i32>} : memref<6x128xi32, #tpu.memory_space<vmem>>, vector<1x16xi32>,
    %swap3A_565 = vector.shape_cast %swap3A_564 : vector<1x16xi32> to vector<16xi32>
    %swap3A_566 = vector.shape_cast %add3A_560 : vector<16xi32> to vector<1x16xi32>
    tpu.vector_store %arg11[%swap3A_562, %swap3A_563], %swap3A_566 {strides = array<i32>} : memref<6x128xi32, #tpu.memory_space<vmem>>, vector<1x16xi32>,
    %mul3A_567 = arith.constant 8 : i32
    %mul3A_568 = arith.muli %select_n3A, %mul3A_567 : i32
    %add3A_569 = arith.constant 5 : i32
    %add3A_570 = arith.addi %mul3A_568, %add3A_569 : i32
    %mul3A_571 = arith.constant 16384 : i32
    %mul3A_572 = arith.muli %add3A_570, %mul3A_571 : i32
    %get3A_573 = arith.constant 0 : index
    %get3A_574 = tpu.vector_load %arg9[%get3A_573] {strides = array<i32>} : memref<64xi32, #tpu.memory_space<vmem>>, vector<16xi32>,
    %get3A_575 = vector.shape_cast %get3A_574 : vector<16xi32> to vector<16xi32>
    %add3A_576 = vector.broadcast %mul3A_572 : i32 to vector<16xi32>
    %add3A_577 = arith.addi %get3A_575, %add3A_576 : vector<16xi32>
    %swap3A_578 = arith.constant 4 : i32
    %swap3A_579 = arith.index_cast %swap3A_578 : i32 to index
    %swap3A_580 = arith.constant 64 : index
    %swap3A_581 = tpu.vector_load %arg11[%swap3A_579, %swap3A_580] {strides = array<i32>} : memref<6x128xi32, #tpu.memory_space<vmem>>, vector<1x16xi32>,
    %swap3A_582 = vector.shape_cast %swap3A_581 : vector<1x16xi32> to vector<16xi32>
    %swap3A_583 = vector.shape_cast %add3A_577 : vector<16xi32> to vector<1x16xi32>
    tpu.vector_store %arg11[%swap3A_579, %swap3A_580], %swap3A_583 {strides = array<i32>} : memref<6x128xi32, #tpu.memory_space<vmem>>, vector<1x16xi32>,
    %get3A_584 = arith.constant 16 : index
    %get3A_585 = tpu.vector_load %arg9[%get3A_584] {strides = array<i32>} : memref<64xi32, #tpu.memory_space<vmem>>, vector<16xi32>,
    %get3A_586 = vector.shape_cast %get3A_585 : vector<16xi32> to vector<16xi32>
    %add3A_587 = vector.broadcast %mul3A_572 : i32 to vector<16xi32>
    %add3A_588 = arith.addi %get3A_586, %add3A_587 : vector<16xi32>
    %swap3A_589 = arith.constant 4 : i32
    %swap3A_590 = arith.index_cast %swap3A_589 : i32 to index
    %swap3A_591 = arith.constant 80 : index
    %swap3A_592 = tpu.vector_load %arg11[%swap3A_590, %swap3A_591] {strides = array<i32>} : memref<6x128xi32, #tpu.memory_space<vmem>>, vector<1x16xi32>,
    %swap3A_593 = vector.shape_cast %swap3A_592 : vector<1x16xi32> to vector<16xi32>
    %swap3A_594 = vector.shape_cast %add3A_588 : vector<16xi32> to vector<1x16xi32>
    tpu.vector_store %arg11[%swap3A_590, %swap3A_591], %swap3A_594 {strides = array<i32>} : memref<6x128xi32, #tpu.memory_space<vmem>>, vector<1x16xi32>,
    %get3A_595 = arith.constant 32 : index
    %get3A_596 = tpu.vector_load %arg9[%get3A_595] {strides = array<i32>} : memref<64xi32, #tpu.memory_space<vmem>>, vector<16xi32>,
    %get3A_597 = vector.shape_cast %get3A_596 : vector<16xi32> to vector<16xi32>
    %add3A_598 = vector.broadcast %mul3A_572 : i32 to vector<16xi32>
    %add3A_599 = arith.addi %get3A_597, %add3A_598 : vector<16xi32>
    %swap3A_600 = arith.constant 4 : i32
    %swap3A_601 = arith.index_cast %swap3A_600 : i32 to index
    %swap3A_602 = arith.constant 96 : index
    %swap3A_603 = tpu.vector_load %arg11[%swap3A_601, %swap3A_602] {strides = array<i32>} : memref<6x128xi32, #tpu.memory_space<vmem>>, vector<1x16xi32>,
    %swap3A_604 = vector.shape_cast %swap3A_603 : vector<1x16xi32> to vector<16xi32>
    %swap3A_605 = vector.shape_cast %add3A_599 : vector<16xi32> to vector<1x16xi32>
    tpu.vector_store %arg11[%swap3A_601, %swap3A_602], %swap3A_605 {strides = array<i32>} : memref<6x128xi32, #tpu.memory_space<vmem>>, vector<1x16xi32>,
    %get3A_606 = arith.constant 48 : index
    %get3A_607 = tpu.vector_load %arg9[%get3A_606] {strides = array<i32>} : memref<64xi32, #tpu.memory_space<vmem>>, vector<16xi32>,
    %get3A_608 = vector.shape_cast %get3A_607 : vector<16xi32> to vector<16xi32>
    %add3A_609 = vector.broadcast %mul3A_572 : i32 to vector<16xi32>
    %add3A_610 = arith.addi %get3A_608, %add3A_609 : vector<16xi32>
    %swap3A_611 = arith.constant 4 : i32
    %swap3A_612 = arith.index_cast %swap3A_611 : i32 to index
    %swap3A_613 = arith.constant 112 : index
    %swap3A_614 = tpu.vector_load %arg11[%swap3A_612, %swap3A_613] {strides = array<i32>} : memref<6x128xi32, #tpu.memory_space<vmem>>, vector<1x16xi32>,
    %swap3A_615 = vector.shape_cast %swap3A_614 : vector<1x16xi32> to vector<16xi32>
    %swap3A_616 = vector.shape_cast %add3A_610 : vector<16xi32> to vector<1x16xi32>
    tpu.vector_store %arg11[%swap3A_612, %swap3A_613], %swap3A_616 {strides = array<i32>} : memref<6x128xi32, #tpu.memory_space<vmem>>, vector<1x16xi32>,
    %mul3A_617 = arith.constant 8 : i32
    %mul3A_618 = arith.muli %select_n3A, %mul3A_617 : i32
    %add3A_619 = arith.constant 6 : i32
    %add3A_620 = arith.addi %mul3A_618, %add3A_619 : i32
    %mul3A_621 = arith.constant 16384 : i32
    %mul3A_622 = arith.muli %add3A_620, %mul3A_621 : i32
    %get3A_623 = arith.constant 0 : index
    %get3A_624 = tpu.vector_load %arg9[%get3A_623] {strides = array<i32>} : memref<64xi32, #tpu.memory_space<vmem>>, vector<16xi32>,
    %get3A_625 = vector.shape_cast %get3A_624 : vector<16xi32> to vector<16xi32>
    %add3A_626 = vector.broadcast %mul3A_622 : i32 to vector<16xi32>
    %add3A_627 = arith.addi %get3A_625, %add3A_626 : vector<16xi32>
    %swap3A_628 = arith.constant 5 : i32
    %swap3A_629 = arith.index_cast %swap3A_628 : i32 to index
    %swap3A_630 = arith.constant 0 : index
    %swap3A_631 = tpu.vector_load %arg11[%swap3A_629, %swap3A_630] {strides = array<i32>} : memref<6x128xi32, #tpu.memory_space<vmem>>, vector<1x16xi32>,
    %swap3A_632 = vector.shape_cast %swap3A_631 : vector<1x16xi32> to vector<16xi32>
    %swap3A_633 = vector.shape_cast %add3A_627 : vector<16xi32> to vector<1x16xi32>
    tpu.vector_store %arg11[%swap3A_629, %swap3A_630], %swap3A_633 {strides = array<i32>} : memref<6x128xi32, #tpu.memory_space<vmem>>, vector<1x16xi32>,
    %get3A_634 = arith.constant 16 : index
    %get3A_635 = tpu.vector_load %arg9[%get3A_634] {strides = array<i32>} : memref<64xi32, #tpu.memory_space<vmem>>, vector<16xi32>,
    %get3A_636 = vector.shape_cast %get3A_635 : vector<16xi32> to vector<16xi32>
    %add3A_637 = vector.broadcast %mul3A_622 : i32 to vector<16xi32>
    %add3A_638 = arith.addi %get3A_636, %add3A_637 : vector<16xi32>
    %swap3A_639 = arith.constant 5 : i32
    %swap3A_640 = arith.index_cast %swap3A_639 : i32 to index
    %swap3A_641 = arith.constant 16 : index
    %swap3A_642 = tpu.vector_load %arg11[%swap3A_640, %swap3A_641] {strides = array<i32>} : memref<6x128xi32, #tpu.memory_space<vmem>>, vector<1x16xi32>,
    %swap3A_643 = vector.shape_cast %swap3A_642 : vector<1x16xi32> to vector<16xi32>
    %swap3A_644 = vector.shape_cast %add3A_638 : vector<16xi32> to vector<1x16xi32>
    tpu.vector_store %arg11[%swap3A_640, %swap3A_641], %swap3A_644 {strides = array<i32>} : memref<6x128xi32, #tpu.memory_space<vmem>>, vector<1x16xi32>,
    %get3A_645 = arith.constant 32 : index
    %get3A_646 = tpu.vector_load %arg9[%get3A_645] {strides = array<i32>} : memref<64xi32, #tpu.memory_space<vmem>>, vector<16xi32>,
    %get3A_647 = vector.shape_cast %get3A_646 : vector<16xi32> to vector<16xi32>
    %add3A_648 = vector.broadcast %mul3A_622 : i32 to vector<16xi32>
    %add3A_649 = arith.addi %get3A_647, %add3A_648 : vector<16xi32>
    %swap3A_650 = arith.constant 5 : i32
    %swap3A_651 = arith.index_cast %swap3A_650 : i32 to index
    %swap3A_652 = arith.constant 32 : index
    %swap3A_653 = tpu.vector_load %arg11[%swap3A_651, %swap3A_652] {strides = array<i32>} : memref<6x128xi32, #tpu.memory_space<vmem>>, vector<1x16xi32>,
    %swap3A_654 = vector.shape_cast %swap3A_653 : vector<1x16xi32> to vector<16xi32>
    %swap3A_655 = vector.shape_cast %add3A_649 : vector<16xi32> to vector<1x16xi32>
    tpu.vector_store %arg11[%swap3A_651, %swap3A_652], %swap3A_655 {strides = array<i32>} : memref<6x128xi32, #tpu.memory_space<vmem>>, vector<1x16xi32>,
    %get3A_656 = arith.constant 48 : index
    %get3A_657 = tpu.vector_load %arg9[%get3A_656] {strides = array<i32>} : memref<64xi32, #tpu.memory_space<vmem>>, vector<16xi32>,
    %get3A_658 = vector.shape_cast %get3A_657 : vector<16xi32> to vector<16xi32>
    %add3A_659 = vector.broadcast %mul3A_622 : i32 to vector<16xi32>
    %add3A_660 = arith.addi %get3A_658, %add3A_659 : vector<16xi32>
    %swap3A_661 = arith.constant 5 : i32
    %swap3A_662 = arith.index_cast %swap3A_661 : i32 to index
    %swap3A_663 = arith.constant 48 : index
    %swap3A_664 = tpu.vector_load %arg11[%swap3A_662, %swap3A_663] {strides = array<i32>} : memref<6x128xi32, #tpu.memory_space<vmem>>, vector<1x16xi32>,
    %swap3A_665 = vector.shape_cast %swap3A_664 : vector<1x16xi32> to vector<16xi32>
    %swap3A_666 = vector.shape_cast %add3A_660 : vector<16xi32> to vector<1x16xi32>
    tpu.vector_store %arg11[%swap3A_662, %swap3A_663], %swap3A_666 {strides = array<i32>} : memref<6x128xi32, #tpu.memory_space<vmem>>, vector<1x16xi32>,
    %mul3A_667 = arith.constant 8 : i32
    %mul3A_668 = arith.muli %select_n3A, %mul3A_667 : i32
    %add3A_669 = arith.constant 7 : i32
    %add3A_670 = arith.addi %mul3A_668, %add3A_669 : i32
    %mul3A_671 = arith.constant 16384 : i32
    %mul3A_672 = arith.muli %add3A_670, %mul3A_671 : i32
    %get3A_673 = arith.constant 0 : index
    %get3A_674 = tpu.vector_load %arg9[%get3A_673] {strides = array<i32>} : memref<64xi32, #tpu.memory_space<vmem>>, vector<16xi32>,
    %get3A_675 = vector.shape_cast %get3A_674 : vector<16xi32> to vector<16xi32>
    %add3A_676 = vector.broadcast %mul3A_672 : i32 to vector<16xi32>
    %add3A_677 = arith.addi %get3A_675, %add3A_676 : vector<16xi32>
    %swap3A_678 = arith.constant 5 : i32
    %swap3A_679 = arith.index_cast %swap3A_678 : i32 to index
    %swap3A_680 = arith.constant 64 : index
    %swap3A_681 = tpu.vector_load %arg11[%swap3A_679, %swap3A_680] {strides = array<i32>} : memref<6x128xi32, #tpu.memory_space<vmem>>, vector<1x16xi32>,
    %swap3A_682 = vector.shape_cast %swap3A_681 : vector<1x16xi32> to vector<16xi32>
    %swap3A_683 = vector.shape_cast %add3A_677 : vector<16xi32> to vector<1x16xi32>
    tpu.vector_store %arg11[%swap3A_679, %swap3A_680], %swap3A_683 {strides = array<i32>} : memref<6x128xi32, #tpu.memory_space<vmem>>, vector<1x16xi32>,
    %get3A_684 = arith.constant 16 : index
    %get3A_685 = tpu.vector_load %arg9[%get3A_684] {strides = array<i32>} : memref<64xi32, #tpu.memory_space<vmem>>, vector<16xi32>,
    %get3A_686 = vector.shape_cast %get3A_685 : vector<16xi32> to vector<16xi32>
    %add3A_687 = vector.broadcast %mul3A_672 : i32 to vector<16xi32>
    %add3A_688 = arith.addi %get3A_686, %add3A_687 : vector<16xi32>
    %swap3A_689 = arith.constant 5 : i32
    %swap3A_690 = arith.index_cast %swap3A_689 : i32 to index
    %swap3A_691 = arith.constant 80 : index
    %swap3A_692 = tpu.vector_load %arg11[%swap3A_690, %swap3A_691] {strides = array<i32>} : memref<6x128xi32, #tpu.memory_space<vmem>>, vector<1x16xi32>,
    %swap3A_693 = vector.shape_cast %swap3A_692 : vector<1x16xi32> to vector<16xi32>
    %swap3A_694 = vector.shape_cast %add3A_688 : vector<16xi32> to vector<1x16xi32>
    tpu.vector_store %arg11[%swap3A_690, %swap3A_691], %swap3A_694 {strides = array<i32>} : memref<6x128xi32, #tpu.memory_space<vmem>>, vector<1x16xi32>,
    %get3A_695 = arith.constant 32 : index
    %get3A_696 = tpu.vector_load %arg9[%get3A_695] {strides = array<i32>} : memref<64xi32, #tpu.memory_space<vmem>>, vector<16xi32>,
    %get3A_697 = vector.shape_cast %get3A_696 : vector<16xi32> to vector<16xi32>
    %add3A_698 = vector.broadcast %mul3A_672 : i32 to vector<16xi32>
    %add3A_699 = arith.addi %get3A_697, %add3A_698 : vector<16xi32>
    %swap3A_700 = arith.constant 5 : i32
    %swap3A_701 = arith.index_cast %swap3A_700 : i32 to index
    %swap3A_702 = arith.constant 96 : index
    %swap3A_703 = tpu.vector_load %arg11[%swap3A_701, %swap3A_702] {strides = array<i32>} : memref<6x128xi32, #tpu.memory_space<vmem>>, vector<1x16xi32>,
    %swap3A_704 = vector.shape_cast %swap3A_703 : vector<1x16xi32> to vector<16xi32>
    %swap3A_705 = vector.shape_cast %add3A_699 : vector<16xi32> to vector<1x16xi32>
    tpu.vector_store %arg11[%swap3A_701, %swap3A_702], %swap3A_705 {strides = array<i32>} : memref<6x128xi32, #tpu.memory_space<vmem>>, vector<1x16xi32>,
    %get3A_706 = arith.constant 48 : index
    %get3A_707 = tpu.vector_load %arg9[%get3A_706] {strides = array<i32>} : memref<64xi32, #tpu.memory_space<vmem>>, vector<16xi32>,
    %get3A_708 = vector.shape_cast %get3A_707 : vector<16xi32> to vector<16xi32>
    %add3A_709 = vector.broadcast %mul3A_672 : i32 to vector<16xi32>
    %add3A_710 = arith.addi %get3A_708, %add3A_709 : vector<16xi32>
    %swap3A_711 = arith.constant 5 : i32
    %swap3A_712 = arith.index_cast %swap3A_711 : i32 to index
    %swap3A_713 = arith.constant 112 : index
    %swap3A_714 = tpu.vector_load %arg11[%swap3A_712, %swap3A_713] {strides = array<i32>} : memref<6x128xi32, #tpu.memory_space<vmem>>, vector<1x16xi32>,
    %swap3A_715 = vector.shape_cast %swap3A_714 : vector<1x16xi32> to vector<16xi32>
    %swap3A_716 = vector.shape_cast %add3A_710 : vector<16xi32> to vector<1x16xi32>
    tpu.vector_store %arg11[%swap3A_712, %swap3A_713], %swap3A_716 {strides = array<i32>} : memref<6x128xi32, #tpu.memory_space<vmem>>, vector<1x16xi32>,
    %dma_start3A = arith.constant 0 : i32
    %dma_start3A_717 = arith.constant 0 : i32
    %dma_start3A_718 = tpu.memref_slice %arg13[%dma_start3A_717] : memref<896xf32, #tpu.memory_space<vmem>> -> memref<128xf32, #tpu.memory_space<vmem>>
    %dma_start3A_719 = arith.constant 0 : i32
    %dma_start3A_720 = tpu.memref_slice %arg11[%dma_start3A, %dma_start3A_719] : memref<6x128xi32, #tpu.memory_space<vmem>> -> memref<1x128xi32, #tpu.memory_space<vmem>>
    %dma_start3A_721 = tpu.memref_squeeze %dma_start3A_720 : memref<1x128xi32, #tpu.memory_space<vmem>> -> memref<128xi32, #tpu.memory_space<vmem>>
    %dma_start3A_722 = arith.constant 0 : i32
    %dma_start3A_723 = tpu.memref_slice %arg4[%dma_start3A_722] : memref<524288xf32, #tpu.memory_space<hbm>> -> memref<524288xf32, #tpu.memory_space<hbm>>
    tpu.enqueue_indirect_dma source(%dma_start3A_723 : memref<524288xf32, #tpu.memory_space<hbm>>) target(%dma_start3A_718 : memref<128xf32, #tpu.memory_space<vmem>>) offsets(%dma_start3A_721 : memref<128xi32, #tpu.memory_space<vmem>>) semaphore(%arg14 : memref<!tpu.dma_semaphore, #tpu.memory_space<semaphore_mem>>)
    %dma_start3A_724 = arith.constant 0 : i32
    %dma_start3A_725 = arith.constant 128 : i32
    %dma_start3A_726 = tpu.memref_slice %arg13[%dma_start3A_725] : memref<896xf32, #tpu.memory_space<vmem>> -> memref<64xf32, #tpu.memory_space<vmem>>
    %dma_start3A_727 = arith.constant 0 : i32
    %dma_start3A_728 = tpu.memref_slice %arg12[%dma_start3A_724, %dma_start3A_727] : memref<2x64xi32, #tpu.memory_space<vmem>> -> memref<1x64xi32, #tpu.memory_space<vmem>>
    %dma_start3A_729 = tpu.memref_squeeze %dma_start3A_728 : memref<1x64xi32, #tpu.memory_space<vmem>> -> memref<64xi32, #tpu.memory_space<vmem>>
    %dma_start3A_730 = arith.constant 0 : i32
    %dma_start3A_731 = tpu.memref_slice %arg5[%dma_start3A_730] : memref<262144xf32, #tpu.memory_space<hbm>> -> memref<262144xf32, #tpu.memory_space<hbm>>
    tpu.enqueue_indirect_dma source(%dma_start3A_731 : memref<262144xf32, #tpu.memory_space<hbm>>) target(%dma_start3A_726 : memref<64xf32, #tpu.memory_space<vmem>>) offsets(%dma_start3A_729 : memref<64xi32, #tpu.memory_space<vmem>>) semaphore(%arg14 : memref<!tpu.dma_semaphore, #tpu.memory_space<semaphore_mem>>)
    %dma_start3A_732 = arith.constant 1 : i32
    %dma_start3A_733 = arith.constant 192 : i32
    %dma_start3A_734 = tpu.memref_slice %arg13[%dma_start3A_733] : memref<896xf32, #tpu.memory_space<vmem>> -> memref<128xf32, #tpu.memory_space<vmem>>
    %dma_start3A_735 = arith.constant 0 : i32
    %dma_start3A_736 = tpu.memref_slice %arg11[%dma_start3A_732, %dma_start3A_735] : memref<6x128xi32, #tpu.memory_space<vmem>> -> memref<1x128xi32, #tpu.memory_space<vmem>>
    %dma_start3A_737 = tpu.memref_squeeze %dma_start3A_736 : memref<1x128xi32, #tpu.memory_space<vmem>> -> memref<128xi32, #tpu.memory_space<vmem>>
    %dma_start3A_738 = arith.constant 0 : i32
    %dma_start3A_739 = tpu.memref_slice %arg6[%dma_start3A_738] : memref<786432xf32, #tpu.memory_space<hbm>> -> memref<786432xf32, #tpu.memory_space<hbm>>
    tpu.enqueue_indirect_dma source(%dma_start3A_739 : memref<786432xf32, #tpu.memory_space<hbm>>) target(%dma_start3A_734 : memref<128xf32, #tpu.memory_space<vmem>>) offsets(%dma_start3A_737 : memref<128xi32, #tpu.memory_space<vmem>>) semaphore(%arg14 : memref<!tpu.dma_semaphore, #tpu.memory_space<semaphore_mem>>)
    %dma_start3A_740 = arith.constant 1 : i32
    %dma_start3A_741 = arith.constant 320 : i32
    %dma_start3A_742 = tpu.memref_slice %arg13[%dma_start3A_741] : memref<896xf32, #tpu.memory_space<vmem>> -> memref<64xf32, #tpu.memory_space<vmem>>
    %dma_start3A_743 = arith.constant 0 : i32
    %dma_start3A_744 = tpu.memref_slice %arg12[%dma_start3A_740, %dma_start3A_743] : memref<2x64xi32, #tpu.memory_space<vmem>> -> memref<1x64xi32, #tpu.memory_space<vmem>>
    %dma_start3A_745 = tpu.memref_squeeze %dma_start3A_744 : memref<1x64xi32, #tpu.memory_space<vmem>> -> memref<64xi32, #tpu.memory_space<vmem>>
    %dma_start3A_746 = arith.constant 0 : i32
    %dma_start3A_747 = tpu.memref_slice %arg6[%dma_start3A_746] : memref<786432xf32, #tpu.memory_space<hbm>> -> memref<786432xf32, #tpu.memory_space<hbm>>
    tpu.enqueue_indirect_dma source(%dma_start3A_747 : memref<786432xf32, #tpu.memory_space<hbm>>) target(%dma_start3A_742 : memref<64xf32, #tpu.memory_space<vmem>>) offsets(%dma_start3A_745 : memref<64xi32, #tpu.memory_space<vmem>>) semaphore(%arg14 : memref<!tpu.dma_semaphore, #tpu.memory_space<semaphore_mem>>)
    %dma_start3A_748 = arith.constant 2 : i32
    %dma_start3A_749 = arith.constant 384 : i32
    %dma_start3A_750 = tpu.memref_slice %arg13[%dma_start3A_749] : memref<896xf32, #tpu.memory_space<vmem>> -> memref<128xf32, #tpu.memory_space<vmem>>
    %dma_start3A_751 = arith.constant 0 : i32
    %dma_start3A_752 = tpu.memref_slice %arg11[%dma_start3A_748, %dma_start3A_751] : memref<6x128xi32, #tpu.memory_space<vmem>> -> memref<1x128xi32, #tpu.memory_space<vmem>>
    %dma_start3A_753 = tpu.memref_squeeze %dma_start3A_752 : memref<1x128xi32, #tpu.memory_space<vmem>> -> memref<128xi32, #tpu.memory_space<vmem>>
    %dma_start3A_754 = arith.constant 0 : i32
    %dma_start3A_755 = tpu.memref_slice %arg7[%dma_start3A_754] : memref<2097152xf32, #tpu.memory_space<hbm>> -> memref<2097152xf32, #tpu.memory_space<hbm>>
    tpu.enqueue_indirect_dma source(%dma_start3A_755 : memref<2097152xf32, #tpu.memory_space<hbm>>) target(%dma_start3A_750 : memref<128xf32, #tpu.memory_space<vmem>>) offsets(%dma_start3A_753 : memref<128xi32, #tpu.memory_space<vmem>>) semaphore(%arg14 : memref<!tpu.dma_semaphore, #tpu.memory_space<semaphore_mem>>)
    %dma_start3A_756 = arith.constant 3 : i32
    %dma_start3A_757 = arith.constant 512 : i32
    %dma_start3A_758 = tpu.memref_slice %arg13[%dma_start3A_757] : memref<896xf32, #tpu.memory_space<vmem>> -> memref<128xf32, #tpu.memory_space<vmem>>
    %dma_start3A_759 = arith.constant 0 : i32
    %dma_start3A_760 = tpu.memref_slice %arg11[%dma_start3A_756, %dma_start3A_759] : memref<6x128xi32, #tpu.memory_space<vmem>> -> memref<1x128xi32, #tpu.memory_space<vmem>>
    %dma_start3A_761 = tpu.memref_squeeze %dma_start3A_760 : memref<1x128xi32, #tpu.memory_space<vmem>> -> memref<128xi32, #tpu.memory_space<vmem>>
    %dma_start3A_762 = arith.constant 0 : i32
    %dma_start3A_763 = tpu.memref_slice %arg7[%dma_start3A_762] : memref<2097152xf32, #tpu.memory_space<hbm>> -> memref<2097152xf32, #tpu.memory_space<hbm>>
    tpu.enqueue_indirect_dma source(%dma_start3A_763 : memref<2097152xf32, #tpu.memory_space<hbm>>) target(%dma_start3A_758 : memref<128xf32, #tpu.memory_space<vmem>>) offsets(%dma_start3A_761 : memref<128xi32, #tpu.memory_space<vmem>>) semaphore(%arg14 : memref<!tpu.dma_semaphore, #tpu.memory_space<semaphore_mem>>)
    %dma_start3A_764 = arith.constant 4 : i32
    %dma_start3A_765 = arith.constant 640 : i32
    %dma_start3A_766 = tpu.memref_slice %arg13[%dma_start3A_765] : memref<896xf32, #tpu.memory_space<vmem>> -> memref<128xf32, #tpu.memory_space<vmem>>
    %dma_start3A_767 = arith.constant 0 : i32
    %dma_start3A_768 = tpu.memref_slice %arg11[%dma_start3A_764, %dma_start3A_767] : memref<6x128xi32, #tpu.memory_space<vmem>> -> memref<1x128xi32, #tpu.memory_space<vmem>>
    %dma_start3A_769 = tpu.memref_squeeze %dma_start3A_768 : memref<1x128xi32, #tpu.memory_space<vmem>> -> memref<128xi32, #tpu.memory_space<vmem>>
    %dma_start3A_770 = arith.constant 0 : i32
    %dma_start3A_771 = tpu.memref_slice %arg7[%dma_start3A_770] : memref<2097152xf32, #tpu.memory_space<hbm>> -> memref<2097152xf32, #tpu.memory_space<hbm>>
    tpu.enqueue_indirect_dma source(%dma_start3A_771 : memref<2097152xf32, #tpu.memory_space<hbm>>) target(%dma_start3A_766 : memref<128xf32, #tpu.memory_space<vmem>>) offsets(%dma_start3A_769 : memref<128xi32, #tpu.memory_space<vmem>>) semaphore(%arg14 : memref<!tpu.dma_semaphore, #tpu.memory_space<semaphore_mem>>)
    %dma_start3A_772 = arith.constant 5 : i32
    %dma_start3A_773 = arith.constant 768 : i32
    %dma_start3A_774 = tpu.memref_slice %arg13[%dma_start3A_773] : memref<896xf32, #tpu.memory_space<vmem>> -> memref<128xf32, #tpu.memory_space<vmem>>
    %dma_start3A_775 = arith.constant 0 : i32
    %dma_start3A_776 = tpu.memref_slice %arg11[%dma_start3A_772, %dma_start3A_775] : memref<6x128xi32, #tpu.memory_space<vmem>> -> memref<1x128xi32, #tpu.memory_space<vmem>>
    %dma_start3A_777 = tpu.memref_squeeze %dma_start3A_776 : memref<1x128xi32, #tpu.memory_space<vmem>> -> memref<128xi32, #tpu.memory_space<vmem>>
    %dma_start3A_778 = arith.constant 0 : i32
    %dma_start3A_779 = tpu.memref_slice %arg7[%dma_start3A_778] : memref<2097152xf32, #tpu.memory_space<hbm>> -> memref<2097152xf32, #tpu.memory_space<hbm>>
    tpu.enqueue_indirect_dma source(%dma_start3A_779 : memref<2097152xf32, #tpu.memory_space<hbm>>) target(%dma_start3A_774 : memref<128xf32, #tpu.memory_space<vmem>>) offsets(%dma_start3A_777 : memref<128xi32, #tpu.memory_space<vmem>>) semaphore(%arg14 : memref<!tpu.dma_semaphore, #tpu.memory_space<semaphore_mem>>)
    %dma_wait3A = arith.constant 0 : i32
    %dma_wait3A_780 = arith.constant 0 : i32
    %dma_wait3A_781 = tpu.memref_slice %arg13[%dma_wait3A_780] : memref<896xf32, #tpu.memory_space<vmem>> -> memref<128xf32, #tpu.memory_space<vmem>>
    %dma_wait3A_782 = arith.constant 0 : i32
    %dma_wait3A_783 = tpu.memref_slice %arg11[%dma_wait3A, %dma_wait3A_782] : memref<6x128xi32, #tpu.memory_space<vmem>> -> memref<1x128xi32, #tpu.memory_space<vmem>>
    %dma_wait3A_784 = tpu.memref_squeeze %dma_wait3A_783 : memref<1x128xi32, #tpu.memory_space<vmem>> -> memref<128xi32, #tpu.memory_space<vmem>>
    %dma_wait3A_785 = arith.constant 0 : i32
    %dma_wait3A_786 = tpu.memref_slice %arg4[%dma_wait3A_785] : memref<524288xf32, #tpu.memory_space<hbm>> -> memref<524288xf32, #tpu.memory_space<hbm>>
    tpu.wait_indirect_dma semaphore(%arg14 : memref<!tpu.dma_semaphore, #tpu.memory_space<semaphore_mem>>) src(%dma_wait3A_786 : memref<524288xf32, #tpu.memory_space<hbm>>) dst(%dma_wait3A_781 : memref<128xf32, #tpu.memory_space<vmem>>)
    %dma_wait3A_787 = arith.constant 0 : i32
    %dma_wait3A_788 = arith.constant 128 : i32
    %dma_wait3A_789 = tpu.memref_slice %arg13[%dma_wait3A_788] : memref<896xf32, #tpu.memory_space<vmem>> -> memref<64xf32, #tpu.memory_space<vmem>>
    %dma_wait3A_790 = arith.constant 0 : i32
    %dma_wait3A_791 = tpu.memref_slice %arg12[%dma_wait3A_787, %dma_wait3A_790] : memref<2x64xi32, #tpu.memory_space<vmem>> -> memref<1x64xi32, #tpu.memory_space<vmem>>
    %dma_wait3A_792 = tpu.memref_squeeze %dma_wait3A_791 : memref<1x64xi32, #tpu.memory_space<vmem>> -> memref<64xi32, #tpu.memory_space<vmem>>
    %dma_wait3A_793 = arith.constant 0 : i32
    %dma_wait3A_794 = tpu.memref_slice %arg5[%dma_wait3A_793] : memref<262144xf32, #tpu.memory_space<hbm>> -> memref<262144xf32, #tpu.memory_space<hbm>>
    tpu.wait_indirect_dma semaphore(%arg14 : memref<!tpu.dma_semaphore, #tpu.memory_space<semaphore_mem>>) src(%dma_wait3A_794 : memref<262144xf32, #tpu.memory_space<hbm>>) dst(%dma_wait3A_789 : memref<64xf32, #tpu.memory_space<vmem>>)
    %dma_wait3A_795 = arith.constant 1 : i32
    %dma_wait3A_796 = arith.constant 192 : i32
    %dma_wait3A_797 = tpu.memref_slice %arg13[%dma_wait3A_796] : memref<896xf32, #tpu.memory_space<vmem>> -> memref<128xf32, #tpu.memory_space<vmem>>
    %dma_wait3A_798 = arith.constant 0 : i32
    %dma_wait3A_799 = tpu.memref_slice %arg11[%dma_wait3A_795, %dma_wait3A_798] : memref<6x128xi32, #tpu.memory_space<vmem>> -> memref<1x128xi32, #tpu.memory_space<vmem>>
    %dma_wait3A_800 = tpu.memref_squeeze %dma_wait3A_799 : memref<1x128xi32, #tpu.memory_space<vmem>> -> memref<128xi32, #tpu.memory_space<vmem>>
    %dma_wait3A_801 = arith.constant 0 : i32
    %dma_wait3A_802 = tpu.memref_slice %arg6[%dma_wait3A_801] : memref<786432xf32, #tpu.memory_space<hbm>> -> memref<786432xf32, #tpu.memory_space<hbm>>
    tpu.wait_indirect_dma semaphore(%arg14 : memref<!tpu.dma_semaphore, #tpu.memory_space<semaphore_mem>>) src(%dma_wait3A_802 : memref<786432xf32, #tpu.memory_space<hbm>>) dst(%dma_wait3A_797 : memref<128xf32, #tpu.memory_space<vmem>>)
    %dma_wait3A_803 = arith.constant 1 : i32
    %dma_wait3A_804 = arith.constant 320 : i32
    %dma_wait3A_805 = tpu.memref_slice %arg13[%dma_wait3A_804] : memref<896xf32, #tpu.memory_space<vmem>> -> memref<64xf32, #tpu.memory_space<vmem>>
    %dma_wait3A_806 = arith.constant 0 : i32
    %dma_wait3A_807 = tpu.memref_slice %arg12[%dma_wait3A_803, %dma_wait3A_806] : memref<2x64xi32, #tpu.memory_space<vmem>> -> memref<1x64xi32, #tpu.memory_space<vmem>>
    %dma_wait3A_808 = tpu.memref_squeeze %dma_wait3A_807 : memref<1x64xi32, #tpu.memory_space<vmem>> -> memref<64xi32, #tpu.memory_space<vmem>>
    %dma_wait3A_809 = arith.constant 0 : i32
    %dma_wait3A_810 = tpu.memref_slice %arg6[%dma_wait3A_809] : memref<786432xf32, #tpu.memory_space<hbm>> -> memref<786432xf32, #tpu.memory_space<hbm>>
    tpu.wait_indirect_dma semaphore(%arg14 : memref<!tpu.dma_semaphore, #tpu.memory_space<semaphore_mem>>) src(%dma_wait3A_810 : memref<786432xf32, #tpu.memory_space<hbm>>) dst(%dma_wait3A_805 : memref<64xf32, #tpu.memory_space<vmem>>)
    %dma_wait3A_811 = arith.constant 2 : i32
    %dma_wait3A_812 = arith.constant 384 : i32
    %dma_wait3A_813 = tpu.memref_slice %arg13[%dma_wait3A_812] : memref<896xf32, #tpu.memory_space<vmem>> -> memref<128xf32, #tpu.memory_space<vmem>>
    %dma_wait3A_814 = arith.constant 0 : i32
    %dma_wait3A_815 = tpu.memref_slice %arg11[%dma_wait3A_811, %dma_wait3A_814] : memref<6x128xi32, #tpu.memory_space<vmem>> -> memref<1x128xi32, #tpu.memory_space<vmem>>
    %dma_wait3A_816 = tpu.memref_squeeze %dma_wait3A_815 : memref<1x128xi32, #tpu.memory_space<vmem>> -> memref<128xi32, #tpu.memory_space<vmem>>
    %dma_wait3A_817 = arith.constant 0 : i32
    %dma_wait3A_818 = tpu.memref_slice %arg7[%dma_wait3A_817] : memref<2097152xf32, #tpu.memory_space<hbm>> -> memref<2097152xf32, #tpu.memory_space<hbm>>
    tpu.wait_indirect_dma semaphore(%arg14 : memref<!tpu.dma_semaphore, #tpu.memory_space<semaphore_mem>>) src(%dma_wait3A_818 : memref<2097152xf32, #tpu.memory_space<hbm>>) dst(%dma_wait3A_813 : memref<128xf32, #tpu.memory_space<vmem>>)
    %dma_wait3A_819 = arith.constant 3 : i32
    %dma_wait3A_820 = arith.constant 512 : i32
    %dma_wait3A_821 = tpu.memref_slice %arg13[%dma_wait3A_820] : memref<896xf32, #tpu.memory_space<vmem>> -> memref<128xf32, #tpu.memory_space<vmem>>
    %dma_wait3A_822 = arith.constant 0 : i32
    %dma_wait3A_823 = tpu.memref_slice %arg11[%dma_wait3A_819, %dma_wait3A_822] : memref<6x128xi32, #tpu.memory_space<vmem>> -> memref<1x128xi32, #tpu.memory_space<vmem>>
    %dma_wait3A_824 = tpu.memref_squeeze %dma_wait3A_823 : memref<1x128xi32, #tpu.memory_space<vmem>> -> memref<128xi32, #tpu.memory_space<vmem>>
    %dma_wait3A_825 = arith.constant 0 : i32
    %dma_wait3A_826 = tpu.memref_slice %arg7[%dma_wait3A_825] : memref<2097152xf32, #tpu.memory_space<hbm>> -> memref<2097152xf32, #tpu.memory_space<hbm>>
    tpu.wait_indirect_dma semaphore(%arg14 : memref<!tpu.dma_semaphore, #tpu.memory_space<semaphore_mem>>) src(%dma_wait3A_826 : memref<2097152xf32, #tpu.memory_space<hbm>>) dst(%dma_wait3A_821 : memref<128xf32, #tpu.memory_space<vmem>>)
    %dma_wait3A_827 = arith.constant 4 : i32
    %dma_wait3A_828 = arith.constant 640 : i32
    %dma_wait3A_829 = tpu.memref_slice %arg13[%dma_wait3A_828] : memref<896xf32, #tpu.memory_space<vmem>> -> memref<128xf32, #tpu.memory_space<vmem>>
    %dma_wait3A_830 = arith.constant 0 : i32
    %dma_wait3A_831 = tpu.memref_slice %arg11[%dma_wait3A_827, %dma_wait3A_830] : memref<6x128xi32, #tpu.memory_space<vmem>> -> memref<1x128xi32, #tpu.memory_space<vmem>>
    %dma_wait3A_832 = tpu.memref_squeeze %dma_wait3A_831 : memref<1x128xi32, #tpu.memory_space<vmem>> -> memref<128xi32, #tpu.memory_space<vmem>>
    %dma_wait3A_833 = arith.constant 0 : i32
    %dma_wait3A_834 = tpu.memref_slice %arg7[%dma_wait3A_833] : memref<2097152xf32, #tpu.memory_space<hbm>> -> memref<2097152xf32, #tpu.memory_space<hbm>>
    tpu.wait_indirect_dma semaphore(%arg14 : memref<!tpu.dma_semaphore, #tpu.memory_space<semaphore_mem>>) src(%dma_wait3A_834 : memref<2097152xf32, #tpu.memory_space<hbm>>) dst(%dma_wait3A_829 : memref<128xf32, #tpu.memory_space<vmem>>)
    %dma_wait3A_835 = arith.constant 5 : i32
    %dma_wait3A_836 = arith.constant 768 : i32
    %dma_wait3A_837 = tpu.memref_slice %arg13[%dma_wait3A_836] : memref<896xf32, #tpu.memory_space<vmem>> -> memref<128xf32, #tpu.memory_space<vmem>>
    %dma_wait3A_838 = arith.constant 0 : i32
    %dma_wait3A_839 = tpu.memref_slice %arg11[%dma_wait3A_835, %dma_wait3A_838] : memref<6x128xi32, #tpu.memory_space<vmem>> -> memref<1x128xi32, #tpu.memory_space<vmem>>
    %dma_wait3A_840 = tpu.memref_squeeze %dma_wait3A_839 : memref<1x128xi32, #tpu.memory_space<vmem>> -> memref<128xi32, #tpu.memory_space<vmem>>
    %dma_wait3A_841 = arith.constant 0 : i32
    %dma_wait3A_842 = tpu.memref_slice %arg7[%dma_wait3A_841] : memref<2097152xf32, #tpu.memory_space<hbm>> -> memref<2097152xf32, #tpu.memory_space<hbm>>
    tpu.wait_indirect_dma semaphore(%arg14 : memref<!tpu.dma_semaphore, #tpu.memory_space<semaphore_mem>>) src(%dma_wait3A_842 : memref<2097152xf32, #tpu.memory_space<hbm>>) dst(%dma_wait3A_837 : memref<128xf32, #tpu.memory_space<vmem>>)
    %get3A_843 = arith.constant 128 : index
    %get3A_844 = tpu.vector_load %arg13[%get3A_843] {strides = array<i32>} : memref<896xf32, #tpu.memory_space<vmem>>, vector<16xf32>,
    %get3A_845 = vector.shape_cast %get3A_844 : vector<16xf32> to vector<16xf32>
    %neg3A = arith.constant 0.000000e+00 : f32
    %neg3A_846 = vector.broadcast %neg3A : f32 to vector<16xf32>
    %neg3A_847 = arith.subf %neg3A_846, %get3A_845 : vector<16xf32>
    %exp3A = math.exp %neg3A_847 : vector<16xf32>
    %add3A_848 = arith.constant 1.000000e+00 : f32
    %add3A_849 = vector.broadcast %add3A_848 : f32 to vector<16xf32>
    %add3A_850 = arith.addf %add3A_849, %exp3A : vector<16xf32>
    %div3A_851 = arith.constant 1.000000e+00 : f32
    %div3A_852 = vector.broadcast %div3A_851 : f32 to vector<16xf32>
    %div3A_853 = arith.divf %div3A_852, %add3A_850 : vector<16xf32>
    %add3A_854 = arith.constant 9.99999997E-7 : f32
    %add3A_855 = vector.broadcast %add3A_854 : f32 to vector<16xf32>
    %add3A_856 = arith.addf %div3A_853, %add3A_855 : vector<16xf32>
    %div3A_857 = arith.constant 1.000000e+00 : f32
    %div3A_858 = vector.broadcast %div3A_857 : f32 to vector<16xf32>
    %div3A_859 = arith.divf %div3A_858, %add3A_856 : vector<16xf32>
    %sub3A_860 = arith.constant 1.000000e+00 : f32
    %sub3A_861 = vector.broadcast %sub3A_860 : f32 to vector<16xf32>
    %sub3A_862 = arith.subf %div3A_859, %sub3A_861 : vector<16xf32>
    %swap3A_863 = arith.constant 128 : index
    %swap3A_864 = tpu.vector_load %arg13[%swap3A_863] {strides = array<i32>} : memref<896xf32, #tpu.memory_space<vmem>>, vector<16xf32>,
    %swap3A_865 = vector.shape_cast %swap3A_864 : vector<16xf32> to vector<16xf32>
    %swap3A_866 = vector.shape_cast %sub3A_862 : vector<16xf32> to vector<16xf32>
    tpu.vector_store %arg13[%swap3A_863], %swap3A_866 {strides = array<i32>} : memref<896xf32, #tpu.memory_space<vmem>>, vector<16xf32>,
    %get3A_867 = arith.constant 144 : index
    %get3A_868 = tpu.vector_load %arg13[%get3A_867] {strides = array<i32>} : memref<896xf32, #tpu.memory_space<vmem>>, vector<16xf32>,
    %get3A_869 = vector.shape_cast %get3A_868 : vector<16xf32> to vector<16xf32>
    %neg3A_870 = arith.constant 0.000000e+00 : f32
    %neg3A_871 = vector.broadcast %neg3A_870 : f32 to vector<16xf32>
    %neg3A_872 = arith.subf %neg3A_871, %get3A_869 : vector<16xf32>
    %exp3A_873 = math.exp %neg3A_872 : vector<16xf32>
    %add3A_874 = arith.constant 1.000000e+00 : f32
    %add3A_875 = vector.broadcast %add3A_874 : f32 to vector<16xf32>
    %add3A_876 = arith.addf %add3A_875, %exp3A_873 : vector<16xf32>
    %div3A_877 = arith.constant 1.000000e+00 : f32
    %div3A_878 = vector.broadcast %div3A_877 : f32 to vector<16xf32>
    %div3A_879 = arith.divf %div3A_878, %add3A_876 : vector<16xf32>
    %add3A_880 = arith.constant 9.99999997E-7 : f32
    %add3A_881 = vector.broadcast %add3A_880 : f32 to vector<16xf32>
    %add3A_882 = arith.addf %div3A_879, %add3A_881 : vector<16xf32>
    %div3A_883 = arith.constant 1.000000e+00 : f32
    %div3A_884 = vector.broadcast %div3A_883 : f32 to vector<16xf32>
    %div3A_885 = arith.divf %div3A_884, %add3A_882 : vector<16xf32>
    %sub3A_886 = arith.constant 1.000000e+00 : f32
    %sub3A_887 = vector.broadcast %sub3A_886 : f32 to vector<16xf32>
    %sub3A_888 = arith.subf %div3A_885, %sub3A_887 : vector<16xf32>
    %swap3A_889 = arith.constant 144 : index
    %swap3A_890 = tpu.vector_load %arg13[%swap3A_889] {strides = array<i32>} : memref<896xf32, #tpu.memory_space<vmem>>, vector<16xf32>,
    %swap3A_891 = vector.shape_cast %swap3A_890 : vector<16xf32> to vector<16xf32>
    %swap3A_892 = vector.shape_cast %sub3A_888 : vector<16xf32> to vector<16xf32>
    tpu.vector_store %arg13[%swap3A_889], %swap3A_892 {strides = array<i32>} : memref<896xf32, #tpu.memory_space<vmem>>, vector<16xf32>,
    %get3A_893 = arith.constant 160 : index
    %get3A_894 = tpu.vector_load %arg13[%get3A_893] {strides = array<i32>} : memref<896xf32, #tpu.memory_space<vmem>>, vector<16xf32>,
    %get3A_895 = vector.shape_cast %get3A_894 : vector<16xf32> to vector<16xf32>
    %neg3A_896 = arith.constant 0.000000e+00 : f32
    %neg3A_897 = vector.broadcast %neg3A_896 : f32 to vector<16xf32>
    %neg3A_898 = arith.subf %neg3A_897, %get3A_895 : vector<16xf32>
    %exp3A_899 = math.exp %neg3A_898 : vector<16xf32>
    %add3A_900 = arith.constant 1.000000e+00 : f32
    %add3A_901 = vector.broadcast %add3A_900 : f32 to vector<16xf32>
    %add3A_902 = arith.addf %add3A_901, %exp3A_899 : vector<16xf32>
    %div3A_903 = arith.constant 1.000000e+00 : f32
    %div3A_904 = vector.broadcast %div3A_903 : f32 to vector<16xf32>
    %div3A_905 = arith.divf %div3A_904, %add3A_902 : vector<16xf32>
    %add3A_906 = arith.constant 9.99999997E-7 : f32
    %add3A_907 = vector.broadcast %add3A_906 : f32 to vector<16xf32>
    %add3A_908 = arith.addf %div3A_905, %add3A_907 : vector<16xf32>
    %div3A_909 = arith.constant 1.000000e+00 : f32
    %div3A_910 = vector.broadcast %div3A_909 : f32 to vector<16xf32>
    %div3A_911 = arith.divf %div3A_910, %add3A_908 : vector<16xf32>
    %sub3A_912 = arith.constant 1.000000e+00 : f32
    %sub3A_913 = vector.broadcast %sub3A_912 : f32 to vector<16xf32>
    %sub3A_914 = arith.subf %div3A_911, %sub3A_913 : vector<16xf32>
    %swap3A_915 = arith.constant 160 : index
    %swap3A_916 = tpu.vector_load %arg13[%swap3A_915] {strides = array<i32>} : memref<896xf32, #tpu.memory_space<vmem>>, vector<16xf32>,
    %swap3A_917 = vector.shape_cast %swap3A_916 : vector<16xf32> to vector<16xf32>
    %swap3A_918 = vector.shape_cast %sub3A_914 : vector<16xf32> to vector<16xf32>
    tpu.vector_store %arg13[%swap3A_915], %swap3A_918 {strides = array<i32>} : memref<896xf32, #tpu.memory_space<vmem>>, vector<16xf32>,
    %get3A_919 = arith.constant 176 : index
    %get3A_920 = tpu.vector_load %arg13[%get3A_919] {strides = array<i32>} : memref<896xf32, #tpu.memory_space<vmem>>, vector<16xf32>,
    %get3A_921 = vector.shape_cast %get3A_920 : vector<16xf32> to vector<16xf32>
    %neg3A_922 = arith.constant 0.000000e+00 : f32
    %neg3A_923 = vector.broadcast %neg3A_922 : f32 to vector<16xf32>
    %neg3A_924 = arith.subf %neg3A_923, %get3A_921 : vector<16xf32>
    %exp3A_925 = math.exp %neg3A_924 : vector<16xf32>
    %add3A_926 = arith.constant 1.000000e+00 : f32
    %add3A_927 = vector.broadcast %add3A_926 : f32 to vector<16xf32>
    %add3A_928 = arith.addf %add3A_927, %exp3A_925 : vector<16xf32>
    %div3A_929 = arith.constant 1.000000e+00 : f32
    %div3A_930 = vector.broadcast %div3A_929 : f32 to vector<16xf32>
    %div3A_931 = arith.divf %div3A_930, %add3A_928 : vector<16xf32>
    %add3A_932 = arith.constant 9.99999997E-7 : f32
    %add3A_933 = vector.broadcast %add3A_932 : f32 to vector<16xf32>
    %add3A_934 = arith.addf %div3A_931, %add3A_933 : vector<16xf32>
    %div3A_935 = arith.constant 1.000000e+00 : f32
    %div3A_936 = vector.broadcast %div3A_935 : f32 to vector<16xf32>
    %div3A_937 = arith.divf %div3A_936, %add3A_934 : vector<16xf32>
    %sub3A_938 = arith.constant 1.000000e+00 : f32
    %sub3A_939 = vector.broadcast %sub3A_938 : f32 to vector<16xf32>
    %sub3A_940 = arith.subf %div3A_937, %sub3A_939 : vector<16xf32>
    %swap3A_941 = arith.constant 176 : index
    %swap3A_942 = tpu.vector_load %arg13[%swap3A_941] {strides = array<i32>} : memref<896xf32, #tpu.memory_space<vmem>>, vector<16xf32>,
    %swap3A_943 = vector.shape_cast %swap3A_942 : vector<16xf32> to vector<16xf32>
    %swap3A_944 = vector.shape_cast %sub3A_940 : vector<16xf32> to vector<16xf32>
    tpu.vector_store %arg13[%swap3A_941], %swap3A_944 {strides = array<i32>} : memref<896xf32, #tpu.memory_space<vmem>>, vector<16xf32>,
    %get3A_945 = arith.constant 0 : index
    %get3A_946 = tpu.vector_load %arg10[%get3A_945] {strides = array<i32>} : memref<64xi32, #tpu.memory_space<vmem>>, vector<16xi32>,
    %get3A_947 = vector.shape_cast %get3A_946 : vector<16xi32> to vector<16xi32>
    %convert_element_type3A = arith.sitofp %get3A_947 : vector<16xi32> to vector<16xf32>
    %get3A_948 = arith.constant 0 : index
    %get3A_949 = tpu.vector_load %arg13[%get3A_948] {strides = array<i32>} : memref<896xf32, #tpu.memory_space<vmem>>, vector<16xf32>,
    %get3A_950 = vector.shape_cast %get3A_949 : vector<16xf32> to vector<16xf32>
    %mul3A_951 = arith.mulf %get3A_950, %convert_element_type3A : vector<16xf32>
    %swap3A_952 = arith.constant 0 : index
    %swap3A_953 = tpu.vector_load %arg13[%swap3A_952] {strides = array<i32>} : memref<896xf32, #tpu.memory_space<vmem>>, vector<16xf32>,
    %swap3A_954 = vector.shape_cast %swap3A_953 : vector<16xf32> to vector<16xf32>
    %swap3A_955 = vector.shape_cast %mul3A_951 : vector<16xf32> to vector<16xf32>
    tpu.vector_store %arg13[%swap3A_952], %swap3A_955 {strides = array<i32>} : memref<896xf32, #tpu.memory_space<vmem>>, vector<16xf32>,
    %get3A_956 = arith.constant 64 : index
    %get3A_957 = tpu.vector_load %arg13[%get3A_956] {strides = array<i32>} : memref<896xf32, #tpu.memory_space<vmem>>, vector<16xf32>,
    %get3A_958 = vector.shape_cast %get3A_957 : vector<16xf32> to vector<16xf32>
    %mul3A_959 = arith.mulf %get3A_958, %convert_element_type3A : vector<16xf32>
    %swap3A_960 = arith.constant 64 : index
    %swap3A_961 = tpu.vector_load %arg13[%swap3A_960] {strides = array<i32>} : memref<896xf32, #tpu.memory_space<vmem>>, vector<16xf32>,
    %swap3A_962 = vector.shape_cast %swap3A_961 : vector<16xf32> to vector<16xf32>
    %swap3A_963 = vector.shape_cast %mul3A_959 : vector<16xf32> to vector<16xf32>
    tpu.vector_store %arg13[%swap3A_960], %swap3A_963 {strides = array<i32>} : memref<896xf32, #tpu.memory_space<vmem>>, vector<16xf32>,
    %get3A_964 = arith.constant 128 : index
    %get3A_965 = tpu.vector_load %arg13[%get3A_964] {strides = array<i32>} : memref<896xf32, #tpu.memory_space<vmem>>, vector<16xf32>,
    %get3A_966 = vector.shape_cast %get3A_965 : vector<16xf32> to vector<16xf32>
    %mul3A_967 = arith.mulf %get3A_966, %convert_element_type3A : vector<16xf32>
    %swap3A_968 = arith.constant 128 : index
    %swap3A_969 = tpu.vector_load %arg13[%swap3A_968] {strides = array<i32>} : memref<896xf32, #tpu.memory_space<vmem>>, vector<16xf32>,
    %swap3A_970 = vector.shape_cast %swap3A_969 : vector<16xf32> to vector<16xf32>
    %swap3A_971 = vector.shape_cast %mul3A_967 : vector<16xf32> to vector<16xf32>
    tpu.vector_store %arg13[%swap3A_968], %swap3A_971 {strides = array<i32>} : memref<896xf32, #tpu.memory_space<vmem>>, vector<16xf32>,
    %get3A_972 = arith.constant 192 : index
    %get3A_973 = tpu.vector_load %arg13[%get3A_972] {strides = array<i32>} : memref<896xf32, #tpu.memory_space<vmem>>, vector<16xf32>,
    %get3A_974 = vector.shape_cast %get3A_973 : vector<16xf32> to vector<16xf32>
    %mul3A_975 = arith.mulf %get3A_974, %convert_element_type3A : vector<16xf32>
    %swap3A_976 = arith.constant 192 : index
    %swap3A_977 = tpu.vector_load %arg13[%swap3A_976] {strides = array<i32>} : memref<896xf32, #tpu.memory_space<vmem>>, vector<16xf32>,
    %swap3A_978 = vector.shape_cast %swap3A_977 : vector<16xf32> to vector<16xf32>
    %swap3A_979 = vector.shape_cast %mul3A_975 : vector<16xf32> to vector<16xf32>
    tpu.vector_store %arg13[%swap3A_976], %swap3A_979 {strides = array<i32>} : memref<896xf32, #tpu.memory_space<vmem>>, vector<16xf32>,
    %get3A_980 = arith.constant 256 : index
    %get3A_981 = tpu.vector_load %arg13[%get3A_980] {strides = array<i32>} : memref<896xf32, #tpu.memory_space<vmem>>, vector<16xf32>,
    %get3A_982 = vector.shape_cast %get3A_981 : vector<16xf32> to vector<16xf32>
    %mul3A_983 = arith.mulf %get3A_982, %convert_element_type3A : vector<16xf32>
    %swap3A_984 = arith.constant 256 : index
    %swap3A_985 = tpu.vector_load %arg13[%swap3A_984] {strides = array<i32>} : memref<896xf32, #tpu.memory_space<vmem>>, vector<16xf32>,
    %swap3A_986 = vector.shape_cast %swap3A_985 : vector<16xf32> to vector<16xf32>
    %swap3A_987 = vector.shape_cast %mul3A_983 : vector<16xf32> to vector<16xf32>
    tpu.vector_store %arg13[%swap3A_984], %swap3A_987 {strides = array<i32>} : memref<896xf32, #tpu.memory_space<vmem>>, vector<16xf32>,
    %get3A_988 = arith.constant 320 : index
    %get3A_989 = tpu.vector_load %arg13[%get3A_988] {strides = array<i32>} : memref<896xf32, #tpu.memory_space<vmem>>, vector<16xf32>,
    %get3A_990 = vector.shape_cast %get3A_989 : vector<16xf32> to vector<16xf32>
    %mul3A_991 = arith.mulf %get3A_990, %convert_element_type3A : vector<16xf32>
    %swap3A_992 = arith.constant 320 : index
    %swap3A_993 = tpu.vector_load %arg13[%swap3A_992] {strides = array<i32>} : memref<896xf32, #tpu.memory_space<vmem>>, vector<16xf32>,
    %swap3A_994 = vector.shape_cast %swap3A_993 : vector<16xf32> to vector<16xf32>
    %swap3A_995 = vector.shape_cast %mul3A_991 : vector<16xf32> to vector<16xf32>
    tpu.vector_store %arg13[%swap3A_992], %swap3A_995 {strides = array<i32>} : memref<896xf32, #tpu.memory_space<vmem>>, vector<16xf32>,
    %get3A_996 = arith.constant 384 : index
    %get3A_997 = tpu.vector_load %arg13[%get3A_996] {strides = array<i32>} : memref<896xf32, #tpu.memory_space<vmem>>, vector<16xf32>,
    %get3A_998 = vector.shape_cast %get3A_997 : vector<16xf32> to vector<16xf32>
    %mul3A_999 = arith.mulf %get3A_998, %convert_element_type3A : vector<16xf32>
    %swap3A_1000 = arith.constant 384 : index
    %swap3A_1001 = tpu.vector_load %arg13[%swap3A_1000] {strides = array<i32>} : memref<896xf32, #tpu.memory_space<vmem>>, vector<16xf32>,
    %swap3A_1002 = vector.shape_cast %swap3A_1001 : vector<16xf32> to vector<16xf32>
    %swap3A_1003 = vector.shape_cast %mul3A_999 : vector<16xf32> to vector<16xf32>
    tpu.vector_store %arg13[%swap3A_1000], %swap3A_1003 {strides = array<i32>} : memref<896xf32, #tpu.memory_space<vmem>>, vector<16xf32>,
    %get3A_1004 = arith.constant 448 : index
    %get3A_1005 = tpu.vector_load %arg13[%get3A_1004] {strides = array<i32>} : memref<896xf32, #tpu.memory_space<vmem>>, vector<16xf32>,
    %get3A_1006 = vector.shape_cast %get3A_1005 : vector<16xf32> to vector<16xf32>
    %mul3A_1007 = arith.mulf %get3A_1006, %convert_element_type3A : vector<16xf32>
    %swap3A_1008 = arith.constant 448 : index
    %swap3A_1009 = tpu.vector_load %arg13[%swap3A_1008] {strides = array<i32>} : memref<896xf32, #tpu.memory_space<vmem>>, vector<16xf32>,
    %swap3A_1010 = vector.shape_cast %swap3A_1009 : vector<16xf32> to vector<16xf32>
    %swap3A_1011 = vector.shape_cast %mul3A_1007 : vector<16xf32> to vector<16xf32>
    tpu.vector_store %arg13[%swap3A_1008], %swap3A_1011 {strides = array<i32>} : memref<896xf32, #tpu.memory_space<vmem>>, vector<16xf32>,
    %get3A_1012 = arith.constant 512 : index
    %get3A_1013 = tpu.vector_load %arg13[%get3A_1012] {strides = array<i32>} : memref<896xf32, #tpu.memory_space<vmem>>, vector<16xf32>,
    %get3A_1014 = vector.shape_cast %get3A_1013 : vector<16xf32> to vector<16xf32>
    %mul3A_1015 = arith.mulf %get3A_1014, %convert_element_type3A : vector<16xf32>
    %swap3A_1016 = arith.constant 512 : index
    %swap3A_1017 = tpu.vector_load %arg13[%swap3A_1016] {strides = array<i32>} : memref<896xf32, #tpu.memory_space<vmem>>, vector<16xf32>,
    %swap3A_1018 = vector.shape_cast %swap3A_1017 : vector<16xf32> to vector<16xf32>
    %swap3A_1019 = vector.shape_cast %mul3A_1015 : vector<16xf32> to vector<16xf32>
    tpu.vector_store %arg13[%swap3A_1016], %swap3A_1019 {strides = array<i32>} : memref<896xf32, #tpu.memory_space<vmem>>, vector<16xf32>,
    %get3A_1020 = arith.constant 576 : index
    %get3A_1021 = tpu.vector_load %arg13[%get3A_1020] {strides = array<i32>} : memref<896xf32, #tpu.memory_space<vmem>>, vector<16xf32>,
    %get3A_1022 = vector.shape_cast %get3A_1021 : vector<16xf32> to vector<16xf32>
    %mul3A_1023 = arith.mulf %get3A_1022, %convert_element_type3A : vector<16xf32>
    %swap3A_1024 = arith.constant 576 : index
    %swap3A_1025 = tpu.vector_load %arg13[%swap3A_1024] {strides = array<i32>} : memref<896xf32, #tpu.memory_space<vmem>>, vector<16xf32>,
    %swap3A_1026 = vector.shape_cast %swap3A_1025 : vector<16xf32> to vector<16xf32>
    %swap3A_1027 = vector.shape_cast %mul3A_1023 : vector<16xf32> to vector<16xf32>
    tpu.vector_store %arg13[%swap3A_1024], %swap3A_1027 {strides = array<i32>} : memref<896xf32, #tpu.memory_space<vmem>>, vector<16xf32>,
    %get3A_1028 = arith.constant 640 : index
    %get3A_1029 = tpu.vector_load %arg13[%get3A_1028] {strides = array<i32>} : memref<896xf32, #tpu.memory_space<vmem>>, vector<16xf32>,
    %get3A_1030 = vector.shape_cast %get3A_1029 : vector<16xf32> to vector<16xf32>
    %mul3A_1031 = arith.mulf %get3A_1030, %convert_element_type3A : vector<16xf32>
    %swap3A_1032 = arith.constant 640 : index
    %swap3A_1033 = tpu.vector_load %arg13[%swap3A_1032] {strides = array<i32>} : memref<896xf32, #tpu.memory_space<vmem>>, vector<16xf32>,
    %swap3A_1034 = vector.shape_cast %swap3A_1033 : vector<16xf32> to vector<16xf32>
    %swap3A_1035 = vector.shape_cast %mul3A_1031 : vector<16xf32> to vector<16xf32>
    tpu.vector_store %arg13[%swap3A_1032], %swap3A_1035 {strides = array<i32>} : memref<896xf32, #tpu.memory_space<vmem>>, vector<16xf32>,
    %get3A_1036 = arith.constant 704 : index
    %get3A_1037 = tpu.vector_load %arg13[%get3A_1036] {strides = array<i32>} : memref<896xf32, #tpu.memory_space<vmem>>, vector<16xf32>,
    %get3A_1038 = vector.shape_cast %get3A_1037 : vector<16xf32> to vector<16xf32>
    %mul3A_1039 = arith.mulf %get3A_1038, %convert_element_type3A : vector<16xf32>
    %swap3A_1040 = arith.constant 704 : index
    %swap3A_1041 = tpu.vector_load %arg13[%swap3A_1040] {strides = array<i32>} : memref<896xf32, #tpu.memory_space<vmem>>, vector<16xf32>,
    %swap3A_1042 = vector.shape_cast %swap3A_1041 : vector<16xf32> to vector<16xf32>
    %swap3A_1043 = vector.shape_cast %mul3A_1039 : vector<16xf32> to vector<16xf32>
    tpu.vector_store %arg13[%swap3A_1040], %swap3A_1043 {strides = array<i32>} : memref<896xf32, #tpu.memory_space<vmem>>, vector<16xf32>,
    %get3A_1044 = arith.constant 768 : index
    %get3A_1045 = tpu.vector_load %arg13[%get3A_1044] {strides = array<i32>} : memref<896xf32, #tpu.memory_space<vmem>>, vector<16xf32>,
    %get3A_1046 = vector.shape_cast %get3A_1045 : vector<16xf32> to vector<16xf32>
    %mul3A_1047 = arith.mulf %get3A_1046, %convert_element_type3A : vector<16xf32>
    %swap3A_1048 = arith.constant 768 : index
    %swap3A_1049 = tpu.vector_load %arg13[%swap3A_1048] {strides = array<i32>} : memref<896xf32, #tpu.memory_space<vmem>>, vector<16xf32>,
    %swap3A_1050 = vector.shape_cast %swap3A_1049 : vector<16xf32> to vector<16xf32>
    %swap3A_1051 = vector.shape_cast %mul3A_1047 : vector<16xf32> to vector<16xf32>
    tpu.vector_store %arg13[%swap3A_1048], %swap3A_1051 {strides = array<i32>} : memref<896xf32, #tpu.memory_space<vmem>>, vector<16xf32>,
    %get3A_1052 = arith.constant 832 : index
    %get3A_1053 = tpu.vector_load %arg13[%get3A_1052] {strides = array<i32>} : memref<896xf32, #tpu.memory_space<vmem>>, vector<16xf32>,
    %get3A_1054 = vector.shape_cast %get3A_1053 : vector<16xf32> to vector<16xf32>
    %mul3A_1055 = arith.mulf %get3A_1054, %convert_element_type3A : vector<16xf32>
    %swap3A_1056 = arith.constant 832 : index
    %swap3A_1057 = tpu.vector_load %arg13[%swap3A_1056] {strides = array<i32>} : memref<896xf32, #tpu.memory_space<vmem>>, vector<16xf32>,
    %swap3A_1058 = vector.shape_cast %swap3A_1057 : vector<16xf32> to vector<16xf32>
    %swap3A_1059 = vector.shape_cast %mul3A_1055 : vector<16xf32> to vector<16xf32>
    tpu.vector_store %arg13[%swap3A_1056], %swap3A_1059 {strides = array<i32>} : memref<896xf32, #tpu.memory_space<vmem>>, vector<16xf32>,
    %get3A_1060 = arith.constant 16 : index
    %get3A_1061 = tpu.vector_load %arg10[%get3A_1060] {strides = array<i32>} : memref<64xi32, #tpu.memory_space<vmem>>, vector<16xi32>,
    %get3A_1062 = vector.shape_cast %get3A_1061 : vector<16xi32> to vector<16xi32>
    %convert_element_type3A_1063 = arith.sitofp %get3A_1062 : vector<16xi32> to vector<16xf32>
    %get3A_1064 = arith.constant 16 : index
    %get3A_1065 = tpu.vector_load %arg13[%get3A_1064] {strides = array<i32>} : memref<896xf32, #tpu.memory_space<vmem>>, vector<16xf32>,
    %get3A_1066 = vector.shape_cast %get3A_1065 : vector<16xf32> to vector<16xf32>
    %mul3A_1067 = arith.mulf %get3A_1066, %convert_element_type3A_1063 : vector<16xf32>
    %swap3A_1068 = arith.constant 16 : index
    %swap3A_1069 = tpu.vector_load %arg13[%swap3A_1068] {strides = array<i32>} : memref<896xf32, #tpu.memory_space<vmem>>, vector<16xf32>,
    %swap3A_1070 = vector.shape_cast %swap3A_1069 : vector<16xf32> to vector<16xf32>
    %swap3A_1071 = vector.shape_cast %mul3A_1067 : vector<16xf32> to vector<16xf32>
    tpu.vector_store %arg13[%swap3A_1068], %swap3A_1071 {strides = array<i32>} : memref<896xf32, #tpu.memory_space<vmem>>, vector<16xf32>,
    %get3A_1072 = arith.constant 80 : index
    %get3A_1073 = tpu.vector_load %arg13[%get3A_1072] {strides = array<i32>} : memref<896xf32, #tpu.memory_space<vmem>>, vector<16xf32>,
    %get3A_1074 = vector.shape_cast %get3A_1073 : vector<16xf32> to vector<16xf32>
    %mul3A_1075 = arith.mulf %get3A_1074, %convert_element_type3A_1063 : vector<16xf32>
    %swap3A_1076 = arith.constant 80 : index
    %swap3A_1077 = tpu.vector_load %arg13[%swap3A_1076] {strides = array<i32>} : memref<896xf32, #tpu.memory_space<vmem>>, vector<16xf32>,
    %swap3A_1078 = vector.shape_cast %swap3A_1077 : vector<16xf32> to vector<16xf32>
    %swap3A_1079 = vector.shape_cast %mul3A_1075 : vector<16xf32> to vector<16xf32>
    tpu.vector_store %arg13[%swap3A_1076], %swap3A_1079 {strides = array<i32>} : memref<896xf32, #tpu.memory_space<vmem>>, vector<16xf32>,
    %get3A_1080 = arith.constant 144 : index
    %get3A_1081 = tpu.vector_load %arg13[%get3A_1080] {strides = array<i32>} : memref<896xf32, #tpu.memory_space<vmem>>, vector<16xf32>,
    %get3A_1082 = vector.shape_cast %get3A_1081 : vector<16xf32> to vector<16xf32>
    %mul3A_1083 = arith.mulf %get3A_1082, %convert_element_type3A_1063 : vector<16xf32>
    %swap3A_1084 = arith.constant 144 : index
    %swap3A_1085 = tpu.vector_load %arg13[%swap3A_1084] {strides = array<i32>} : memref<896xf32, #tpu.memory_space<vmem>>, vector<16xf32>,
    %swap3A_1086 = vector.shape_cast %swap3A_1085 : vector<16xf32> to vector<16xf32>
    %swap3A_1087 = vector.shape_cast %mul3A_1083 : vector<16xf32> to vector<16xf32>
    tpu.vector_store %arg13[%swap3A_1084], %swap3A_1087 {strides = array<i32>} : memref<896xf32, #tpu.memory_space<vmem>>, vector<16xf32>,
    %get3A_1088 = arith.constant 208 : index
    %get3A_1089 = tpu.vector_load %arg13[%get3A_1088] {strides = array<i32>} : memref<896xf32, #tpu.memory_space<vmem>>, vector<16xf32>,
    %get3A_1090 = vector.shape_cast %get3A_1089 : vector<16xf32> to vector<16xf32>
    %mul3A_1091 = arith.mulf %get3A_1090, %convert_element_type3A_1063 : vector<16xf32>
    %swap3A_1092 = arith.constant 208 : index
    %swap3A_1093 = tpu.vector_load %arg13[%swap3A_1092] {strides = array<i32>} : memref<896xf32, #tpu.memory_space<vmem>>, vector<16xf32>,
    %swap3A_1094 = vector.shape_cast %swap3A_1093 : vector<16xf32> to vector<16xf32>
    %swap3A_1095 = vector.shape_cast %mul3A_1091 : vector<16xf32> to vector<16xf32>
    tpu.vector_store %arg13[%swap3A_1092], %swap3A_1095 {strides = array<i32>} : memref<896xf32, #tpu.memory_space<vmem>>, vector<16xf32>,
    %get3A_1096 = arith.constant 272 : index
    %get3A_1097 = tpu.vector_load %arg13[%get3A_1096] {strides = array<i32>} : memref<896xf32, #tpu.memory_space<vmem>>, vector<16xf32>,
    %get3A_1098 = vector.shape_cast %get3A_1097 : vector<16xf32> to vector<16xf32>
    %mul3A_1099 = arith.mulf %get3A_1098, %convert_element_type3A_1063 : vector<16xf32>
    %swap3A_1100 = arith.constant 272 : index
    %swap3A_1101 = tpu.vector_load %arg13[%swap3A_1100] {strides = array<i32>} : memref<896xf32, #tpu.memory_space<vmem>>, vector<16xf32>,
    %swap3A_1102 = vector.shape_cast %swap3A_1101 : vector<16xf32> to vector<16xf32>
    %swap3A_1103 = vector.shape_cast %mul3A_1099 : vector<16xf32> to vector<16xf32>
    tpu.vector_store %arg13[%swap3A_1100], %swap3A_1103 {strides = array<i32>} : memref<896xf32, #tpu.memory_space<vmem>>, vector<16xf32>,
    %get3A_1104 = arith.constant 336 : index
    %get3A_1105 = tpu.vector_load %arg13[%get3A_1104] {strides = array<i32>} : memref<896xf32, #tpu.memory_space<vmem>>, vector<16xf32>,
    %get3A_1106 = vector.shape_cast %get3A_1105 : vector<16xf32> to vector<16xf32>
    %mul3A_1107 = arith.mulf %get3A_1106, %convert_element_type3A_1063 : vector<16xf32>
    %swap3A_1108 = arith.constant 336 : index
    %swap3A_1109 = tpu.vector_load %arg13[%swap3A_1108] {strides = array<i32>} : memref<896xf32, #tpu.memory_space<vmem>>, vector<16xf32>,
    %swap3A_1110 = vector.shape_cast %swap3A_1109 : vector<16xf32> to vector<16xf32>
    %swap3A_1111 = vector.shape_cast %mul3A_1107 : vector<16xf32> to vector<16xf32>
    tpu.vector_store %arg13[%swap3A_1108], %swap3A_1111 {strides = array<i32>} : memref<896xf32, #tpu.memory_space<vmem>>, vector<16xf32>,
    %get3A_1112 = arith.constant 400 : index
    %get3A_1113 = tpu.vector_load %arg13[%get3A_1112] {strides = array<i32>} : memref<896xf32, #tpu.memory_space<vmem>>, vector<16xf32>,
    %get3A_1114 = vector.shape_cast %get3A_1113 : vector<16xf32> to vector<16xf32>
    %mul3A_1115 = arith.mulf %get3A_1114, %convert_element_type3A_1063 : vector<16xf32>
    %swap3A_1116 = arith.constant 400 : index
    %swap3A_1117 = tpu.vector_load %arg13[%swap3A_1116] {strides = array<i32>} : memref<896xf32, #tpu.memory_space<vmem>>, vector<16xf32>,
    %swap3A_1118 = vector.shape_cast %swap3A_1117 : vector<16xf32> to vector<16xf32>
    %swap3A_1119 = vector.shape_cast %mul3A_1115 : vector<16xf32> to vector<16xf32>
    tpu.vector_store %arg13[%swap3A_1116], %swap3A_1119 {strides = array<i32>} : memref<896xf32, #tpu.memory_space<vmem>>, vector<16xf32>,
    %get3A_1120 = arith.constant 464 : index
    %get3A_1121 = tpu.vector_load %arg13[%get3A_1120] {strides = array<i32>} : memref<896xf32, #tpu.memory_space<vmem>>, vector<16xf32>,
    %get3A_1122 = vector.shape_cast %get3A_1121 : vector<16xf32> to vector<16xf32>
    %mul3A_1123 = arith.mulf %get3A_1122, %convert_element_type3A_1063 : vector<16xf32>
    %swap3A_1124 = arith.constant 464 : index
    %swap3A_1125 = tpu.vector_load %arg13[%swap3A_1124] {strides = array<i32>} : memref<896xf32, #tpu.memory_space<vmem>>, vector<16xf32>,
    %swap3A_1126 = vector.shape_cast %swap3A_1125 : vector<16xf32> to vector<16xf32>
    %swap3A_1127 = vector.shape_cast %mul3A_1123 : vector<16xf32> to vector<16xf32>
    tpu.vector_store %arg13[%swap3A_1124], %swap3A_1127 {strides = array<i32>} : memref<896xf32, #tpu.memory_space<vmem>>, vector<16xf32>,
    %get3A_1128 = arith.constant 528 : index
    %get3A_1129 = tpu.vector_load %arg13[%get3A_1128] {strides = array<i32>} : memref<896xf32, #tpu.memory_space<vmem>>, vector<16xf32>,
    %get3A_1130 = vector.shape_cast %get3A_1129 : vector<16xf32> to vector<16xf32>
    %mul3A_1131 = arith.mulf %get3A_1130, %convert_element_type3A_1063 : vector<16xf32>
    %swap3A_1132 = arith.constant 528 : index
    %swap3A_1133 = tpu.vector_load %arg13[%swap3A_1132] {strides = array<i32>} : memref<896xf32, #tpu.memory_space<vmem>>, vector<16xf32>,
    %swap3A_1134 = vector.shape_cast %swap3A_1133 : vector<16xf32> to vector<16xf32>
    %swap3A_1135 = vector.shape_cast %mul3A_1131 : vector<16xf32> to vector<16xf32>
    tpu.vector_store %arg13[%swap3A_1132], %swap3A_1135 {strides = array<i32>} : memref<896xf32, #tpu.memory_space<vmem>>, vector<16xf32>,
    %get3A_1136 = arith.constant 592 : index
    %get3A_1137 = tpu.vector_load %arg13[%get3A_1136] {strides = array<i32>} : memref<896xf32, #tpu.memory_space<vmem>>, vector<16xf32>,
    %get3A_1138 = vector.shape_cast %get3A_1137 : vector<16xf32> to vector<16xf32>
    %mul3A_1139 = arith.mulf %get3A_1138, %convert_element_type3A_1063 : vector<16xf32>
    %swap3A_1140 = arith.constant 592 : index
    %swap3A_1141 = tpu.vector_load %arg13[%swap3A_1140] {strides = array<i32>} : memref<896xf32, #tpu.memory_space<vmem>>, vector<16xf32>,
    %swap3A_1142 = vector.shape_cast %swap3A_1141 : vector<16xf32> to vector<16xf32>
    %swap3A_1143 = vector.shape_cast %mul3A_1139 : vector<16xf32> to vector<16xf32>
    tpu.vector_store %arg13[%swap3A_1140], %swap3A_1143 {strides = array<i32>} : memref<896xf32, #tpu.memory_space<vmem>>, vector<16xf32>,
    %get3A_1144 = arith.constant 656 : index
    %get3A_1145 = tpu.vector_load %arg13[%get3A_1144] {strides = array<i32>} : memref<896xf32, #tpu.memory_space<vmem>>, vector<16xf32>,
    %get3A_1146 = vector.shape_cast %get3A_1145 : vector<16xf32> to vector<16xf32>
    %mul3A_1147 = arith.mulf %get3A_1146, %convert_element_type3A_1063 : vector<16xf32>
    %swap3A_1148 = arith.constant 656 : index
    %swap3A_1149 = tpu.vector_load %arg13[%swap3A_1148] {strides = array<i32>} : memref<896xf32, #tpu.memory_space<vmem>>, vector<16xf32>,
    %swap3A_1150 = vector.shape_cast %swap3A_1149 : vector<16xf32> to vector<16xf32>
    %swap3A_1151 = vector.shape_cast %mul3A_1147 : vector<16xf32> to vector<16xf32>
    tpu.vector_store %arg13[%swap3A_1148], %swap3A_1151 {strides = array<i32>} : memref<896xf32, #tpu.memory_space<vmem>>, vector<16xf32>,
    %get3A_1152 = arith.constant 720 : index
    %get3A_1153 = tpu.vector_load %arg13[%get3A_1152] {strides = array<i32>} : memref<896xf32, #tpu.memory_space<vmem>>, vector<16xf32>,
    %get3A_1154 = vector.shape_cast %get3A_1153 : vector<16xf32> to vector<16xf32>
    %mul3A_1155 = arith.mulf %get3A_1154, %convert_element_type3A_1063 : vector<16xf32>
    %swap3A_1156 = arith.constant 720 : index
    %swap3A_1157 = tpu.vector_load %arg13[%swap3A_1156] {strides = array<i32>} : memref<896xf32, #tpu.memory_space<vmem>>, vector<16xf32>,
    %swap3A_1158 = vector.shape_cast %swap3A_1157 : vector<16xf32> to vector<16xf32>
    %swap3A_1159 = vector.shape_cast %mul3A_1155 : vector<16xf32> to vector<16xf32>
    tpu.vector_store %arg13[%swap3A_1156], %swap3A_1159 {strides = array<i32>} : memref<896xf32, #tpu.memory_space<vmem>>, vector<16xf32>,
    %get3A_1160 = arith.constant 784 : index
    %get3A_1161 = tpu.vector_load %arg13[%get3A_1160] {strides = array<i32>} : memref<896xf32, #tpu.memory_space<vmem>>, vector<16xf32>,
    %get3A_1162 = vector.shape_cast %get3A_1161 : vector<16xf32> to vector<16xf32>
    %mul3A_1163 = arith.mulf %get3A_1162, %convert_element_type3A_1063 : vector<16xf32>
    %swap3A_1164 = arith.constant 784 : index
    %swap3A_1165 = tpu.vector_load %arg13[%swap3A_1164] {strides = array<i32>} : memref<896xf32, #tpu.memory_space<vmem>>, vector<16xf32>,
    %swap3A_1166 = vector.shape_cast %swap3A_1165 : vector<16xf32> to vector<16xf32>
    %swap3A_1167 = vector.shape_cast %mul3A_1163 : vector<16xf32> to vector<16xf32>
    tpu.vector_store %arg13[%swap3A_1164], %swap3A_1167 {strides = array<i32>} : memref<896xf32, #tpu.memory_space<vmem>>, vector<16xf32>,
    %get3A_1168 = arith.constant 848 : index
    %get3A_1169 = tpu.vector_load %arg13[%get3A_1168] {strides = array<i32>} : memref<896xf32, #tpu.memory_space<vmem>>, vector<16xf32>,
    %get3A_1170 = vector.shape_cast %get3A_1169 : vector<16xf32> to vector<16xf32>
    %mul3A_1171 = arith.mulf %get3A_1170, %convert_element_type3A_1063 : vector<16xf32>
    %swap3A_1172 = arith.constant 848 : index
    %swap3A_1173 = tpu.vector_load %arg13[%swap3A_1172] {strides = array<i32>} : memref<896xf32, #tpu.memory_space<vmem>>, vector<16xf32>,
    %swap3A_1174 = vector.shape_cast %swap3A_1173 : vector<16xf32> to vector<16xf32>
    %swap3A_1175 = vector.shape_cast %mul3A_1171 : vector<16xf32> to vector<16xf32>
    tpu.vector_store %arg13[%swap3A_1172], %swap3A_1175 {strides = array<i32>} : memref<896xf32, #tpu.memory_space<vmem>>, vector<16xf32>,
    %get3A_1176 = arith.constant 32 : index
    %get3A_1177 = tpu.vector_load %arg10[%get3A_1176] {strides = array<i32>} : memref<64xi32, #tpu.memory_space<vmem>>, vector<16xi32>,
    %get3A_1178 = vector.shape_cast %get3A_1177 : vector<16xi32> to vector<16xi32>
    %convert_element_type3A_1179 = arith.sitofp %get3A_1178 : vector<16xi32> to vector<16xf32>
    %get3A_1180 = arith.constant 32 : index
    %get3A_1181 = tpu.vector_load %arg13[%get3A_1180] {strides = array<i32>} : memref<896xf32, #tpu.memory_space<vmem>>, vector<16xf32>,
    %get3A_1182 = vector.shape_cast %get3A_1181 : vector<16xf32> to vector<16xf32>
    %mul3A_1183 = arith.mulf %get3A_1182, %convert_element_type3A_1179 : vector<16xf32>
    %swap3A_1184 = arith.constant 32 : index
    %swap3A_1185 = tpu.vector_load %arg13[%swap3A_1184] {strides = array<i32>} : memref<896xf32, #tpu.memory_space<vmem>>, vector<16xf32>,
    %swap3A_1186 = vector.shape_cast %swap3A_1185 : vector<16xf32> to vector<16xf32>
    %swap3A_1187 = vector.shape_cast %mul3A_1183 : vector<16xf32> to vector<16xf32>
    tpu.vector_store %arg13[%swap3A_1184], %swap3A_1187 {strides = array<i32>} : memref<896xf32, #tpu.memory_space<vmem>>, vector<16xf32>,
    %get3A_1188 = arith.constant 96 : index
    %get3A_1189 = tpu.vector_load %arg13[%get3A_1188] {strides = array<i32>} : memref<896xf32, #tpu.memory_space<vmem>>, vector<16xf32>,
    %get3A_1190 = vector.shape_cast %get3A_1189 : vector<16xf32> to vector<16xf32>
    %mul3A_1191 = arith.mulf %get3A_1190, %convert_element_type3A_1179 : vector<16xf32>
    %swap3A_1192 = arith.constant 96 : index
    %swap3A_1193 = tpu.vector_load %arg13[%swap3A_1192] {strides = array<i32>} : memref<896xf32, #tpu.memory_space<vmem>>, vector<16xf32>,
    %swap3A_1194 = vector.shape_cast %swap3A_1193 : vector<16xf32> to vector<16xf32>
    %swap3A_1195 = vector.shape_cast %mul3A_1191 : vector<16xf32> to vector<16xf32>
    tpu.vector_store %arg13[%swap3A_1192], %swap3A_1195 {strides = array<i32>} : memref<896xf32, #tpu.memory_space<vmem>>, vector<16xf32>,
    %get3A_1196 = arith.constant 160 : index
    %get3A_1197 = tpu.vector_load %arg13[%get3A_1196] {strides = array<i32>} : memref<896xf32, #tpu.memory_space<vmem>>, vector<16xf32>,
    %get3A_1198 = vector.shape_cast %get3A_1197 : vector<16xf32> to vector<16xf32>
    %mul3A_1199 = arith.mulf %get3A_1198, %convert_element_type3A_1179 : vector<16xf32>
    %swap3A_1200 = arith.constant 160 : index
    %swap3A_1201 = tpu.vector_load %arg13[%swap3A_1200] {strides = array<i32>} : memref<896xf32, #tpu.memory_space<vmem>>, vector<16xf32>,
    %swap3A_1202 = vector.shape_cast %swap3A_1201 : vector<16xf32> to vector<16xf32>
    %swap3A_1203 = vector.shape_cast %mul3A_1199 : vector<16xf32> to vector<16xf32>
    tpu.vector_store %arg13[%swap3A_1200], %swap3A_1203 {strides = array<i32>} : memref<896xf32, #tpu.memory_space<vmem>>, vector<16xf32>,
    %get3A_1204 = arith.constant 224 : index
    %get3A_1205 = tpu.vector_load %arg13[%get3A_1204] {strides = array<i32>} : memref<896xf32, #tpu.memory_space<vmem>>, vector<16xf32>,
    %get3A_1206 = vector.shape_cast %get3A_1205 : vector<16xf32> to vector<16xf32>
    %mul3A_1207 = arith.mulf %get3A_1206, %convert_element_type3A_1179 : vector<16xf32>
    %swap3A_1208 = arith.constant 224 : index
    %swap3A_1209 = tpu.vector_load %arg13[%swap3A_1208] {strides = array<i32>} : memref<896xf32, #tpu.memory_space<vmem>>, vector<16xf32>,
    %swap3A_1210 = vector.shape_cast %swap3A_1209 : vector<16xf32> to vector<16xf32>
    %swap3A_1211 = vector.shape_cast %mul3A_1207 : vector<16xf32> to vector<16xf32>
    tpu.vector_store %arg13[%swap3A_1208], %swap3A_1211 {strides = array<i32>} : memref<896xf32, #tpu.memory_space<vmem>>, vector<16xf32>,
    %get3A_1212 = arith.constant 288 : index
    %get3A_1213 = tpu.vector_load %arg13[%get3A_1212] {strides = array<i32>} : memref<896xf32, #tpu.memory_space<vmem>>, vector<16xf32>,
    %get3A_1214 = vector.shape_cast %get3A_1213 : vector<16xf32> to vector<16xf32>
    %mul3A_1215 = arith.mulf %get3A_1214, %convert_element_type3A_1179 : vector<16xf32>
    %swap3A_1216 = arith.constant 288 : index
    %swap3A_1217 = tpu.vector_load %arg13[%swap3A_1216] {strides = array<i32>} : memref<896xf32, #tpu.memory_space<vmem>>, vector<16xf32>,
    %swap3A_1218 = vector.shape_cast %swap3A_1217 : vector<16xf32> to vector<16xf32>
    %swap3A_1219 = vector.shape_cast %mul3A_1215 : vector<16xf32> to vector<16xf32>
    tpu.vector_store %arg13[%swap3A_1216], %swap3A_1219 {strides = array<i32>} : memref<896xf32, #tpu.memory_space<vmem>>, vector<16xf32>,
    %get3A_1220 = arith.constant 352 : index
    %get3A_1221 = tpu.vector_load %arg13[%get3A_1220] {strides = array<i32>} : memref<896xf32, #tpu.memory_space<vmem>>, vector<16xf32>,
    %get3A_1222 = vector.shape_cast %get3A_1221 : vector<16xf32> to vector<16xf32>
    %mul3A_1223 = arith.mulf %get3A_1222, %convert_element_type3A_1179 : vector<16xf32>
    %swap3A_1224 = arith.constant 352 : index
    %swap3A_1225 = tpu.vector_load %arg13[%swap3A_1224] {strides = array<i32>} : memref<896xf32, #tpu.memory_space<vmem>>, vector<16xf32>,
    %swap3A_1226 = vector.shape_cast %swap3A_1225 : vector<16xf32> to vector<16xf32>
    %swap3A_1227 = vector.shape_cast %mul3A_1223 : vector<16xf32> to vector<16xf32>
    tpu.vector_store %arg13[%swap3A_1224], %swap3A_1227 {strides = array<i32>} : memref<896xf32, #tpu.memory_space<vmem>>, vector<16xf32>,
    %get3A_1228 = arith.constant 416 : index
    %get3A_1229 = tpu.vector_load %arg13[%get3A_1228] {strides = array<i32>} : memref<896xf32, #tpu.memory_space<vmem>>, vector<16xf32>,
    %get3A_1230 = vector.shape_cast %get3A_1229 : vector<16xf32> to vector<16xf32>
    %mul3A_1231 = arith.mulf %get3A_1230, %convert_element_type3A_1179 : vector<16xf32>
    %swap3A_1232 = arith.constant 416 : index
    %swap3A_1233 = tpu.vector_load %arg13[%swap3A_1232] {strides = array<i32>} : memref<896xf32, #tpu.memory_space<vmem>>, vector<16xf32>,
    %swap3A_1234 = vector.shape_cast %swap3A_1233 : vector<16xf32> to vector<16xf32>
    %swap3A_1235 = vector.shape_cast %mul3A_1231 : vector<16xf32> to vector<16xf32>
    tpu.vector_store %arg13[%swap3A_1232], %swap3A_1235 {strides = array<i32>} : memref<896xf32, #tpu.memory_space<vmem>>, vector<16xf32>,
    %get3A_1236 = arith.constant 480 : index
    %get3A_1237 = tpu.vector_load %arg13[%get3A_1236] {strides = array<i32>} : memref<896xf32, #tpu.memory_space<vmem>>, vector<16xf32>,
    %get3A_1238 = vector.shape_cast %get3A_1237 : vector<16xf32> to vector<16xf32>
    %mul3A_1239 = arith.mulf %get3A_1238, %convert_element_type3A_1179 : vector<16xf32>
    %swap3A_1240 = arith.constant 480 : index
    %swap3A_1241 = tpu.vector_load %arg13[%swap3A_1240] {strides = array<i32>} : memref<896xf32, #tpu.memory_space<vmem>>, vector<16xf32>,
    %swap3A_1242 = vector.shape_cast %swap3A_1241 : vector<16xf32> to vector<16xf32>
    %swap3A_1243 = vector.shape_cast %mul3A_1239 : vector<16xf32> to vector<16xf32>
    tpu.vector_store %arg13[%swap3A_1240], %swap3A_1243 {strides = array<i32>} : memref<896xf32, #tpu.memory_space<vmem>>, vector<16xf32>,
    %get3A_1244 = arith.constant 544 : index
    %get3A_1245 = tpu.vector_load %arg13[%get3A_1244] {strides = array<i32>} : memref<896xf32, #tpu.memory_space<vmem>>, vector<16xf32>,
    %get3A_1246 = vector.shape_cast %get3A_1245 : vector<16xf32> to vector<16xf32>
    %mul3A_1247 = arith.mulf %get3A_1246, %convert_element_type3A_1179 : vector<16xf32>
    %swap3A_1248 = arith.constant 544 : index
    %swap3A_1249 = tpu.vector_load %arg13[%swap3A_1248] {strides = array<i32>} : memref<896xf32, #tpu.memory_space<vmem>>, vector<16xf32>,
    %swap3A_1250 = vector.shape_cast %swap3A_1249 : vector<16xf32> to vector<16xf32>
    %swap3A_1251 = vector.shape_cast %mul3A_1247 : vector<16xf32> to vector<16xf32>
    tpu.vector_store %arg13[%swap3A_1248], %swap3A_1251 {strides = array<i32>} : memref<896xf32, #tpu.memory_space<vmem>>, vector<16xf32>,
    %get3A_1252 = arith.constant 608 : index
    %get3A_1253 = tpu.vector_load %arg13[%get3A_1252] {strides = array<i32>} : memref<896xf32, #tpu.memory_space<vmem>>, vector<16xf32>,
    %get3A_1254 = vector.shape_cast %get3A_1253 : vector<16xf32> to vector<16xf32>
    %mul3A_1255 = arith.mulf %get3A_1254, %convert_element_type3A_1179 : vector<16xf32>
    %swap3A_1256 = arith.constant 608 : index
    %swap3A_1257 = tpu.vector_load %arg13[%swap3A_1256] {strides = array<i32>} : memref<896xf32, #tpu.memory_space<vmem>>, vector<16xf32>,
    %swap3A_1258 = vector.shape_cast %swap3A_1257 : vector<16xf32> to vector<16xf32>
    %swap3A_1259 = vector.shape_cast %mul3A_1255 : vector<16xf32> to vector<16xf32>
    tpu.vector_store %arg13[%swap3A_1256], %swap3A_1259 {strides = array<i32>} : memref<896xf32, #tpu.memory_space<vmem>>, vector<16xf32>,
    %get3A_1260 = arith.constant 672 : index
    %get3A_1261 = tpu.vector_load %arg13[%get3A_1260] {strides = array<i32>} : memref<896xf32, #tpu.memory_space<vmem>>, vector<16xf32>,
    %get3A_1262 = vector.shape_cast %get3A_1261 : vector<16xf32> to vector<16xf32>
    %mul3A_1263 = arith.mulf %get3A_1262, %convert_element_type3A_1179 : vector<16xf32>
    %swap3A_1264 = arith.constant 672 : index
    %swap3A_1265 = tpu.vector_load %arg13[%swap3A_1264] {strides = array<i32>} : memref<896xf32, #tpu.memory_space<vmem>>, vector<16xf32>,
    %swap3A_1266 = vector.shape_cast %swap3A_1265 : vector<16xf32> to vector<16xf32>
    %swap3A_1267 = vector.shape_cast %mul3A_1263 : vector<16xf32> to vector<16xf32>
    tpu.vector_store %arg13[%swap3A_1264], %swap3A_1267 {strides = array<i32>} : memref<896xf32, #tpu.memory_space<vmem>>, vector<16xf32>,
    %get3A_1268 = arith.constant 736 : index
    %get3A_1269 = tpu.vector_load %arg13[%get3A_1268] {strides = array<i32>} : memref<896xf32, #tpu.memory_space<vmem>>, vector<16xf32>,
    %get3A_1270 = vector.shape_cast %get3A_1269 : vector<16xf32> to vector<16xf32>
    %mul3A_1271 = arith.mulf %get3A_1270, %convert_element_type3A_1179 : vector<16xf32>
    %swap3A_1272 = arith.constant 736 : index
    %swap3A_1273 = tpu.vector_load %arg13[%swap3A_1272] {strides = array<i32>} : memref<896xf32, #tpu.memory_space<vmem>>, vector<16xf32>,
    %swap3A_1274 = vector.shape_cast %swap3A_1273 : vector<16xf32> to vector<16xf32>
    %swap3A_1275 = vector.shape_cast %mul3A_1271 : vector<16xf32> to vector<16xf32>
    tpu.vector_store %arg13[%swap3A_1272], %swap3A_1275 {strides = array<i32>} : memref<896xf32, #tpu.memory_space<vmem>>, vector<16xf32>,
    %get3A_1276 = arith.constant 800 : index
    %get3A_1277 = tpu.vector_load %arg13[%get3A_1276] {strides = array<i32>} : memref<896xf32, #tpu.memory_space<vmem>>, vector<16xf32>,
    %get3A_1278 = vector.shape_cast %get3A_1277 : vector<16xf32> to vector<16xf32>
    %mul3A_1279 = arith.mulf %get3A_1278, %convert_element_type3A_1179 : vector<16xf32>
    %swap3A_1280 = arith.constant 800 : index
    %swap3A_1281 = tpu.vector_load %arg13[%swap3A_1280] {strides = array<i32>} : memref<896xf32, #tpu.memory_space<vmem>>, vector<16xf32>,
    %swap3A_1282 = vector.shape_cast %swap3A_1281 : vector<16xf32> to vector<16xf32>
    %swap3A_1283 = vector.shape_cast %mul3A_1279 : vector<16xf32> to vector<16xf32>
    tpu.vector_store %arg13[%swap3A_1280], %swap3A_1283 {strides = array<i32>} : memref<896xf32, #tpu.memory_space<vmem>>, vector<16xf32>,
    %get3A_1284 = arith.constant 864 : index
    %get3A_1285 = tpu.vector_load %arg13[%get3A_1284] {strides = array<i32>} : memref<896xf32, #tpu.memory_space<vmem>>, vector<16xf32>,
    %get3A_1286 = vector.shape_cast %get3A_1285 : vector<16xf32> to vector<16xf32>
    %mul3A_1287 = arith.mulf %get3A_1286, %convert_element_type3A_1179 : vector<16xf32>
    %swap3A_1288 = arith.constant 864 : index
    %swap3A_1289 = tpu.vector_load %arg13[%swap3A_1288] {strides = array<i32>} : memref<896xf32, #tpu.memory_space<vmem>>, vector<16xf32>,
    %swap3A_1290 = vector.shape_cast %swap3A_1289 : vector<16xf32> to vector<16xf32>
    %swap3A_1291 = vector.shape_cast %mul3A_1287 : vector<16xf32> to vector<16xf32>
    tpu.vector_store %arg13[%swap3A_1288], %swap3A_1291 {strides = array<i32>} : memref<896xf32, #tpu.memory_space<vmem>>, vector<16xf32>,
    %get3A_1292 = arith.constant 48 : index
    %get3A_1293 = tpu.vector_load %arg10[%get3A_1292] {strides = array<i32>} : memref<64xi32, #tpu.memory_space<vmem>>, vector<16xi32>,
    %get3A_1294 = vector.shape_cast %get3A_1293 : vector<16xi32> to vector<16xi32>
    %convert_element_type3A_1295 = arith.sitofp %get3A_1294 : vector<16xi32> to vector<16xf32>
    %get3A_1296 = arith.constant 48 : index
    %get3A_1297 = tpu.vector_load %arg13[%get3A_1296] {strides = array<i32>} : memref<896xf32, #tpu.memory_space<vmem>>, vector<16xf32>,
    %get3A_1298 = vector.shape_cast %get3A_1297 : vector<16xf32> to vector<16xf32>
    %mul3A_1299 = arith.mulf %get3A_1298, %convert_element_type3A_1295 : vector<16xf32>
    %swap3A_1300 = arith.constant 48 : index
    %swap3A_1301 = tpu.vector_load %arg13[%swap3A_1300] {strides = array<i32>} : memref<896xf32, #tpu.memory_space<vmem>>, vector<16xf32>,
    %swap3A_1302 = vector.shape_cast %swap3A_1301 : vector<16xf32> to vector<16xf32>
    %swap3A_1303 = vector.shape_cast %mul3A_1299 : vector<16xf32> to vector<16xf32>
    tpu.vector_store %arg13[%swap3A_1300], %swap3A_1303 {strides = array<i32>} : memref<896xf32, #tpu.memory_space<vmem>>, vector<16xf32>,
    %get3A_1304 = arith.constant 112 : index
    %get3A_1305 = tpu.vector_load %arg13[%get3A_1304] {strides = array<i32>} : memref<896xf32, #tpu.memory_space<vmem>>, vector<16xf32>,
    %get3A_1306 = vector.shape_cast %get3A_1305 : vector<16xf32> to vector<16xf32>
    %mul3A_1307 = arith.mulf %get3A_1306, %convert_element_type3A_1295 : vector<16xf32>
    %swap3A_1308 = arith.constant 112 : index
    %swap3A_1309 = tpu.vector_load %arg13[%swap3A_1308] {strides = array<i32>} : memref<896xf32, #tpu.memory_space<vmem>>, vector<16xf32>,
    %swap3A_1310 = vector.shape_cast %swap3A_1309 : vector<16xf32> to vector<16xf32>
    %swap3A_1311 = vector.shape_cast %mul3A_1307 : vector<16xf32> to vector<16xf32>
    tpu.vector_store %arg13[%swap3A_1308], %swap3A_1311 {strides = array<i32>} : memref<896xf32, #tpu.memory_space<vmem>>, vector<16xf32>,
    %get3A_1312 = arith.constant 176 : index
    %get3A_1313 = tpu.vector_load %arg13[%get3A_1312] {strides = array<i32>} : memref<896xf32, #tpu.memory_space<vmem>>, vector<16xf32>,
    %get3A_1314 = vector.shape_cast %get3A_1313 : vector<16xf32> to vector<16xf32>
    %mul3A_1315 = arith.mulf %get3A_1314, %convert_element_type3A_1295 : vector<16xf32>
    %swap3A_1316 = arith.constant 176 : index
    %swap3A_1317 = tpu.vector_load %arg13[%swap3A_1316] {strides = array<i32>} : memref<896xf32, #tpu.memory_space<vmem>>, vector<16xf32>,
    %swap3A_1318 = vector.shape_cast %swap3A_1317 : vector<16xf32> to vector<16xf32>
    %swap3A_1319 = vector.shape_cast %mul3A_1315 : vector<16xf32> to vector<16xf32>
    tpu.vector_store %arg13[%swap3A_1316], %swap3A_1319 {strides = array<i32>} : memref<896xf32, #tpu.memory_space<vmem>>, vector<16xf32>,
    %get3A_1320 = arith.constant 240 : index
    %get3A_1321 = tpu.vector_load %arg13[%get3A_1320] {strides = array<i32>} : memref<896xf32, #tpu.memory_space<vmem>>, vector<16xf32>,
    %get3A_1322 = vector.shape_cast %get3A_1321 : vector<16xf32> to vector<16xf32>
    %mul3A_1323 = arith.mulf %get3A_1322, %convert_element_type3A_1295 : vector<16xf32>
    %swap3A_1324 = arith.constant 240 : index
    %swap3A_1325 = tpu.vector_load %arg13[%swap3A_1324] {strides = array<i32>} : memref<896xf32, #tpu.memory_space<vmem>>, vector<16xf32>,
    %swap3A_1326 = vector.shape_cast %swap3A_1325 : vector<16xf32> to vector<16xf32>
    %swap3A_1327 = vector.shape_cast %mul3A_1323 : vector<16xf32> to vector<16xf32>
    tpu.vector_store %arg13[%swap3A_1324], %swap3A_1327 {strides = array<i32>} : memref<896xf32, #tpu.memory_space<vmem>>, vector<16xf32>,
    %get3A_1328 = arith.constant 304 : index
    %get3A_1329 = tpu.vector_load %arg13[%get3A_1328] {strides = array<i32>} : memref<896xf32, #tpu.memory_space<vmem>>, vector<16xf32>,
    %get3A_1330 = vector.shape_cast %get3A_1329 : vector<16xf32> to vector<16xf32>
    %mul3A_1331 = arith.mulf %get3A_1330, %convert_element_type3A_1295 : vector<16xf32>
    %swap3A_1332 = arith.constant 304 : index
    %swap3A_1333 = tpu.vector_load %arg13[%swap3A_1332] {strides = array<i32>} : memref<896xf32, #tpu.memory_space<vmem>>, vector<16xf32>,
    %swap3A_1334 = vector.shape_cast %swap3A_1333 : vector<16xf32> to vector<16xf32>
    %swap3A_1335 = vector.shape_cast %mul3A_1331 : vector<16xf32> to vector<16xf32>
    tpu.vector_store %arg13[%swap3A_1332], %swap3A_1335 {strides = array<i32>} : memref<896xf32, #tpu.memory_space<vmem>>, vector<16xf32>,
    %get3A_1336 = arith.constant 368 : index
    %get3A_1337 = tpu.vector_load %arg13[%get3A_1336] {strides = array<i32>} : memref<896xf32, #tpu.memory_space<vmem>>, vector<16xf32>,
    %get3A_1338 = vector.shape_cast %get3A_1337 : vector<16xf32> to vector<16xf32>
    %mul3A_1339 = arith.mulf %get3A_1338, %convert_element_type3A_1295 : vector<16xf32>
    %swap3A_1340 = arith.constant 368 : index
    %swap3A_1341 = tpu.vector_load %arg13[%swap3A_1340] {strides = array<i32>} : memref<896xf32, #tpu.memory_space<vmem>>, vector<16xf32>,
    %swap3A_1342 = vector.shape_cast %swap3A_1341 : vector<16xf32> to vector<16xf32>
    %swap3A_1343 = vector.shape_cast %mul3A_1339 : vector<16xf32> to vector<16xf32>
    tpu.vector_store %arg13[%swap3A_1340], %swap3A_1343 {strides = array<i32>} : memref<896xf32, #tpu.memory_space<vmem>>, vector<16xf32>,
    %get3A_1344 = arith.constant 432 : index
    %get3A_1345 = tpu.vector_load %arg13[%get3A_1344] {strides = array<i32>} : memref<896xf32, #tpu.memory_space<vmem>>, vector<16xf32>,
    %get3A_1346 = vector.shape_cast %get3A_1345 : vector<16xf32> to vector<16xf32>
    %mul3A_1347 = arith.mulf %get3A_1346, %convert_element_type3A_1295 : vector<16xf32>
    %swap3A_1348 = arith.constant 432 : index
    %swap3A_1349 = tpu.vector_load %arg13[%swap3A_1348] {strides = array<i32>} : memref<896xf32, #tpu.memory_space<vmem>>, vector<16xf32>,
    %swap3A_1350 = vector.shape_cast %swap3A_1349 : vector<16xf32> to vector<16xf32>
    %swap3A_1351 = vector.shape_cast %mul3A_1347 : vector<16xf32> to vector<16xf32>
    tpu.vector_store %arg13[%swap3A_1348], %swap3A_1351 {strides = array<i32>} : memref<896xf32, #tpu.memory_space<vmem>>, vector<16xf32>,
    %get3A_1352 = arith.constant 496 : index
    %get3A_1353 = tpu.vector_load %arg13[%get3A_1352] {strides = array<i32>} : memref<896xf32, #tpu.memory_space<vmem>>, vector<16xf32>,
    %get3A_1354 = vector.shape_cast %get3A_1353 : vector<16xf32> to vector<16xf32>
    %mul3A_1355 = arith.mulf %get3A_1354, %convert_element_type3A_1295 : vector<16xf32>
    %swap3A_1356 = arith.constant 496 : index
    %swap3A_1357 = tpu.vector_load %arg13[%swap3A_1356] {strides = array<i32>} : memref<896xf32, #tpu.memory_space<vmem>>, vector<16xf32>,
    %swap3A_1358 = vector.shape_cast %swap3A_1357 : vector<16xf32> to vector<16xf32>
    %swap3A_1359 = vector.shape_cast %mul3A_1355 : vector<16xf32> to vector<16xf32>
    tpu.vector_store %arg13[%swap3A_1356], %swap3A_1359 {strides = array<i32>} : memref<896xf32, #tpu.memory_space<vmem>>, vector<16xf32>,
    %get3A_1360 = arith.constant 560 : index
    %get3A_1361 = tpu.vector_load %arg13[%get3A_1360] {strides = array<i32>} : memref<896xf32, #tpu.memory_space<vmem>>, vector<16xf32>,
    %get3A_1362 = vector.shape_cast %get3A_1361 : vector<16xf32> to vector<16xf32>
    %mul3A_1363 = arith.mulf %get3A_1362, %convert_element_type3A_1295 : vector<16xf32>
    %swap3A_1364 = arith.constant 560 : index
    %swap3A_1365 = tpu.vector_load %arg13[%swap3A_1364] {strides = array<i32>} : memref<896xf32, #tpu.memory_space<vmem>>, vector<16xf32>,
    %swap3A_1366 = vector.shape_cast %swap3A_1365 : vector<16xf32> to vector<16xf32>
    %swap3A_1367 = vector.shape_cast %mul3A_1363 : vector<16xf32> to vector<16xf32>
    tpu.vector_store %arg13[%swap3A_1364], %swap3A_1367 {strides = array<i32>} : memref<896xf32, #tpu.memory_space<vmem>>, vector<16xf32>,
    %get3A_1368 = arith.constant 624 : index
    %get3A_1369 = tpu.vector_load %arg13[%get3A_1368] {strides = array<i32>} : memref<896xf32, #tpu.memory_space<vmem>>, vector<16xf32>,
    %get3A_1370 = vector.shape_cast %get3A_1369 : vector<16xf32> to vector<16xf32>
    %mul3A_1371 = arith.mulf %get3A_1370, %convert_element_type3A_1295 : vector<16xf32>
    %swap3A_1372 = arith.constant 624 : index
    %swap3A_1373 = tpu.vector_load %arg13[%swap3A_1372] {strides = array<i32>} : memref<896xf32, #tpu.memory_space<vmem>>, vector<16xf32>,
    %swap3A_1374 = vector.shape_cast %swap3A_1373 : vector<16xf32> to vector<16xf32>
    %swap3A_1375 = vector.shape_cast %mul3A_1371 : vector<16xf32> to vector<16xf32>
    tpu.vector_store %arg13[%swap3A_1372], %swap3A_1375 {strides = array<i32>} : memref<896xf32, #tpu.memory_space<vmem>>, vector<16xf32>,
    %get3A_1376 = arith.constant 688 : index
    %get3A_1377 = tpu.vector_load %arg13[%get3A_1376] {strides = array<i32>} : memref<896xf32, #tpu.memory_space<vmem>>, vector<16xf32>,
    %get3A_1378 = vector.shape_cast %get3A_1377 : vector<16xf32> to vector<16xf32>
    %mul3A_1379 = arith.mulf %get3A_1378, %convert_element_type3A_1295 : vector<16xf32>
    %swap3A_1380 = arith.constant 688 : index
    %swap3A_1381 = tpu.vector_load %arg13[%swap3A_1380] {strides = array<i32>} : memref<896xf32, #tpu.memory_space<vmem>>, vector<16xf32>,
    %swap3A_1382 = vector.shape_cast %swap3A_1381 : vector<16xf32> to vector<16xf32>
    %swap3A_1383 = vector.shape_cast %mul3A_1379 : vector<16xf32> to vector<16xf32>
    tpu.vector_store %arg13[%swap3A_1380], %swap3A_1383 {strides = array<i32>} : memref<896xf32, #tpu.memory_space<vmem>>, vector<16xf32>,
    %get3A_1384 = arith.constant 752 : index
    %get3A_1385 = tpu.vector_load %arg13[%get3A_1384] {strides = array<i32>} : memref<896xf32, #tpu.memory_space<vmem>>, vector<16xf32>,
    %get3A_1386 = vector.shape_cast %get3A_1385 : vector<16xf32> to vector<16xf32>
    %mul3A_1387 = arith.mulf %get3A_1386, %convert_element_type3A_1295 : vector<16xf32>
    %swap3A_1388 = arith.constant 752 : index
    %swap3A_1389 = tpu.vector_load %arg13[%swap3A_1388] {strides = array<i32>} : memref<896xf32, #tpu.memory_space<vmem>>, vector<16xf32>,
    %swap3A_1390 = vector.shape_cast %swap3A_1389 : vector<16xf32> to vector<16xf32>
    %swap3A_1391 = vector.shape_cast %mul3A_1387 : vector<16xf32> to vector<16xf32>
    tpu.vector_store %arg13[%swap3A_1388], %swap3A_1391 {strides = array<i32>} : memref<896xf32, #tpu.memory_space<vmem>>, vector<16xf32>,
    %get3A_1392 = arith.constant 816 : index
    %get3A_1393 = tpu.vector_load %arg13[%get3A_1392] {strides = array<i32>} : memref<896xf32, #tpu.memory_space<vmem>>, vector<16xf32>,
    %get3A_1394 = vector.shape_cast %get3A_1393 : vector<16xf32> to vector<16xf32>
    %mul3A_1395 = arith.mulf %get3A_1394, %convert_element_type3A_1295 : vector<16xf32>
    %swap3A_1396 = arith.constant 816 : index
    %swap3A_1397 = tpu.vector_load %arg13[%swap3A_1396] {strides = array<i32>} : memref<896xf32, #tpu.memory_space<vmem>>, vector<16xf32>,
    %swap3A_1398 = vector.shape_cast %swap3A_1397 : vector<16xf32> to vector<16xf32>
    %swap3A_1399 = vector.shape_cast %mul3A_1395 : vector<16xf32> to vector<16xf32>
    tpu.vector_store %arg13[%swap3A_1396], %swap3A_1399 {strides = array<i32>} : memref<896xf32, #tpu.memory_space<vmem>>, vector<16xf32>,
    %get3A_1400 = arith.constant 880 : index
    %get3A_1401 = tpu.vector_load %arg13[%get3A_1400] {strides = array<i32>} : memref<896xf32, #tpu.memory_space<vmem>>, vector<16xf32>,
    %get3A_1402 = vector.shape_cast %get3A_1401 : vector<16xf32> to vector<16xf32>
    %mul3A_1403 = arith.mulf %get3A_1402, %convert_element_type3A_1295 : vector<16xf32>
    %swap3A_1404 = arith.constant 880 : index
    %swap3A_1405 = tpu.vector_load %arg13[%swap3A_1404] {strides = array<i32>} : memref<896xf32, #tpu.memory_space<vmem>>, vector<16xf32>,
    %swap3A_1406 = vector.shape_cast %swap3A_1405 : vector<16xf32> to vector<16xf32>
    %swap3A_1407 = vector.shape_cast %mul3A_1403 : vector<16xf32> to vector<16xf32>
    tpu.vector_store %arg13[%swap3A_1404], %swap3A_1407 {strides = array<i32>} : memref<896xf32, #tpu.memory_space<vmem>>, vector<16xf32>,
    %mul3A_1408 = arith.constant 14 : i32
    %mul3A_1409 = arith.muli %add3A, %mul3A_1408 : i32
    %mul3A_1410 = arith.constant 64 : i32
    %mul3A_1411 = arith.muli %mul3A_1409, %mul3A_1410 : i32
    "tpu.region"() ({
      %run_scoped3A = tpu.sem_alloc : memref<!tpu.dma_semaphore, #tpu.memory_space<semaphore_mem>>
      %dma_start3A_1412 = tpu.memref_slice %arg8[%mul3A_1411] : memref<28672xf32, #tpu.memory_space<hbm>> -> memref<896xf32, #tpu.memory_space<hbm>>
      %dma_start3A_1413 = tpu.memref_slice %arg8[%mul3A_1411] : memref<28672xf32, #tpu.memory_space<hbm>> -> memref<896xf32, #tpu.memory_space<hbm>>
      tpu.enqueue_dma source(%arg13 : memref<896xf32, #tpu.memory_space<vmem>>) target(%dma_start3A_1413 : memref<896xf32, #tpu.memory_space<hbm>>) target_semaphore(%run_scoped3A : memref<!tpu.dma_semaphore, #tpu.memory_space<semaphore_mem>>)
      %dma_wait3A_1414 = tpu.memref_slice %arg8[%mul3A_1411] : memref<28672xf32, #tpu.memory_space<hbm>> -> memref<896xf32, #tpu.memory_space<hbm>>
      %dma_wait3A_1415 = tpu.memref_slice %arg8[%mul3A_1411] : memref<28672xf32, #tpu.memory_space<hbm>> -> memref<896xf32, #tpu.memory_space<hbm>>
      tpu.wait_dma2 semaphore(%run_scoped3A : memref<!tpu.dma_semaphore, #tpu.memory_space<semaphore_mem>>) src(%arg13 : memref<896xf32, #tpu.memory_space<vmem>>) dst(%dma_wait3A_1415 : memref<896xf32, #tpu.memory_space<hbm>>)
      tpu.yield
    }) : () -> ()
    return
  }
}

module attributes {stable_mosaic.version = 14 : i64} {
  func.func @_mse_body(%arg0: i32, %arg1: memref<1536x128xf32, #tpu.memory_space<vmem>>, %arg2: memref<1536x128xf32, #tpu.memory_space<vmem>>, %arg3: memref<1x128xf32, #tpu.memory_space<vmem>>) attributes {dimension_semantics = [#tpu.dimension_semantics<arbitrary>], iteration_bounds = array<i64: 4>, scalar_prefetch = 0 : i64, scratch_operands = 0 : i64, tpu.core_type = #tpu.core_type<tc>, window_params = [{transform_indices = @transform_0, window_bounds = array<i64: 1536, 128>}, {transform_indices = @transform_1, window_bounds = array<i64: 1536, 128>}, {pipeline_mode = #tpu.pipeline_mode<synchronous>, transform_indices = @transform_2, window_bounds = array<i64: 1, 128>}]} {
    %get3A = arith.constant 0 : index
    %get3A_0 = arith.constant 0 : index
    %get3A_1 = vector.load %arg1[%get3A, %get3A_0] : memref<1536x128xf32, #tpu.memory_space<vmem>>, vector<1536x128xf32>
    %get3A_2 = arith.constant 0 : index
    %get3A_3 = arith.constant 0 : index
    %get3A_4 = vector.load %arg2[%get3A_2, %get3A_3] : memref<1536x128xf32, #tpu.memory_space<vmem>>, vector<1536x128xf32>
    %neg3A = arith.constant 0.000000e+00 : f32
    %neg3A_5 = vector.broadcast %neg3A : f32 to vector<1536x128xf32>
    %neg3A_6 = arith.subf %neg3A_5, %get3A_1 : vector<1536x128xf32>
    %exp3A = math.exp %neg3A_6 : vector<1536x128xf32>
    %add3A = arith.constant 1.000000e+00 : f32
    %add3A_7 = vector.broadcast %add3A : f32 to vector<1536x128xf32>
    %add3A_8 = arith.addf %add3A_7, %exp3A : vector<1536x128xf32>
    %div3A = arith.constant 1.000000e+00 : f32
    %div3A_9 = vector.broadcast %div3A : f32 to vector<1536x128xf32>
    %div3A_10 = arith.divf %div3A_9, %add3A_8 : vector<1536x128xf32>
    %jit3A = arith.constant 9.99999974E-5 : f32
    %jit3A_11 = arith.constant 0.999899983 : f32
    %max3A = vector.broadcast %jit3A : f32 to vector<1536x128xf32>
    %max3A_12 = arith.maximumf %max3A, %div3A_10 : vector<1536x128xf32>
    %min3A = vector.broadcast %jit3A_11 : f32 to vector<1536x128xf32>
    %min3A_13 = arith.minimumf %min3A, %max3A_12 : vector<1536x128xf32>
    %sub3A = arith.subf %min3A_13, %get3A_4 : vector<1536x128xf32>
    %mul3A = arith.mulf %sub3A, %sub3A : vector<1536x128xf32>
    %reduce_sum3A = arith.constant dense<0.000000e+00> : vector<128xf32>
    %reduce_sum3A_14 = vector.multi_reduction <add>, %mul3A, %reduce_sum3A [0] : vector<1536x128xf32> to vector<128xf32>
    %broadcast_in_dim3A = vector.shape_cast %reduce_sum3A_14 : vector<128xf32> to vector<1x128xf32>
    %eq3A = arith.constant 0 : i32
    %eq3A_15 = arith.cmpi eq, %arg0, %eq3A : i32
    %convert_element_type3A = arith.extui %eq3A_15 : i1 to i32
    %cond3A = arith.constant 0 : i32
    %cond3A_16 = arith.cmpi ne, %convert_element_type3A, %cond3A : i32
    scf.if %cond3A_16 {
      %swap3A = arith.constant 0 : index
      %swap3A_21 = arith.constant 0 : index
      %swap3A_22 = vector.load %arg3[%swap3A, %swap3A_21] : memref<1x128xf32, #tpu.memory_space<vmem>>, vector<1x128xf32>
      tpu.vector_store %arg3[%swap3A, %swap3A_21], %broadcast_in_dim3A {strides = array<i32>} : memref<1x128xf32, #tpu.memory_space<vmem>>, vector<1x128xf32>,
    } else {
    }
    %gt3A = arith.constant 0 : i32
    %gt3A_17 = arith.cmpi sgt, %arg0, %gt3A : i32
    %convert_element_type3A_18 = arith.extui %gt3A_17 : i1 to i32
    %cond3A_19 = arith.constant 0 : i32
    %cond3A_20 = arith.cmpi ne, %convert_element_type3A_18, %cond3A_19 : i32
    scf.if %cond3A_20 {
      %get3A_21 = arith.constant 0 : index
      %get3A_22 = arith.constant 0 : index
      %get3A_23 = vector.load %arg3[%get3A_21, %get3A_22] : memref<1x128xf32, #tpu.memory_space<vmem>>, vector<1x128xf32>
      %add3A_24 = arith.addf %get3A_23, %broadcast_in_dim3A : vector<1x128xf32>
      %swap3A = arith.constant 0 : index
      %swap3A_25 = arith.constant 0 : index
      %swap3A_26 = vector.load %arg3[%swap3A, %swap3A_25] : memref<1x128xf32, #tpu.memory_space<vmem>>, vector<1x128xf32>
      tpu.vector_store %arg3[%swap3A, %swap3A_25], %add3A_24 {strides = array<i32>} : memref<1x128xf32, #tpu.memory_space<vmem>>, vector<1x128xf32>,
    } else {
    }
    return
  }
  func.func @transform_0(%arg0: i32) -> (i32, i32) {
    %c0_i32 = arith.constant 0 : i32
    %c0_i32_0 = arith.constant 0 : i32
    return %arg0, %c0_i32 : i32, i32
  }
  func.func @transform_1(%arg0: i32) -> (i32, i32) {
    %c0_i32 = arith.constant 0 : i32
    %c0_i32_0 = arith.constant 0 : i32
    return %arg0, %c0_i32 : i32, i32
  }
  func.func @transform_2(%arg0: i32) -> (i32, i32) {
    %c0_i32 = arith.constant 0 : i32
    %c0_i32_0 = arith.constant 0 : i32
    %c0_i32_1 = arith.constant 0 : i32
    return %c0_i32, %c0_i32_0 : i32, i32
  }
}

module attributes {stable_mosaic.version = 14 : i64} {
  func.func @_combine_body(%arg0: memref<1x128xf32, #tpu.memory_space<vmem>>, %arg1: memref<224x128xf32, #tpu.memory_space<vmem>>, %arg2: memref<224x128xf32, #tpu.memory_space<vmem>>, %arg3: memref<1x1xf32, #tpu.memory_space<smem>>, %arg4: memref<1x1xf32, #tpu.memory_space<smem>>, %arg5: memref<1x1xf32, #tpu.memory_space<smem>>, %arg6: memref<1x1xf32, #tpu.memory_space<smem>>, %arg7: memref<1x1xf32, #tpu.memory_space<smem>>, %arg8: memref<1x1xf32, #tpu.memory_space<smem>>) attributes {dimension_semantics = [], scalar_prefetch = 0 : i64, scratch_operands = 0 : i64, tpu.core_type = #tpu.core_type<tc>} {
    %get3A = arith.constant 0 : index
    %get3A_0 = arith.constant 0 : index
    %get3A_1 = vector.load %arg1[%get3A, %get3A_0] : memref<224x128xf32, #tpu.memory_space<vmem>>, vector<224x128xf32>
    %get3A_2 = arith.constant 0 : index
    %get3A_3 = arith.constant 0 : index
    %get3A_4 = vector.load %arg2[%get3A_2, %get3A_3] : memref<224x128xf32, #tpu.memory_space<vmem>>, vector<224x128xf32>
    %iota3A = tpu.iota {dimensions = array<i32: 0>} : vector<224x128xi32>
    %iota3A_5 = tpu.iota {dimensions = array<i32: 1>} : vector<224x128xi32>
    %jit3A = arith.constant 7 : i32
    %eq3A = arith.constant 0 : i32
    %eq3A_6 = arith.cmpi eq, %jit3A, %eq3A : i32
    %jit3A_7 = arith.constant 1 : i32
    %select_n3A = arith.select %eq3A_6, %jit3A_7, %jit3A : i32
    %rem3A = vector.broadcast %select_n3A : i32 to vector<224x128xi32>
    %rem3A_8 = arith.remsi %iota3A, %rem3A : vector<224x128xi32>
    %ne3A = arith.constant 0 : i32
    %ne3A_9 = vector.broadcast %ne3A : i32 to vector<224x128xi32>
    %ne3A_10 = arith.cmpi ne, %rem3A_8, %ne3A_9 : vector<224x128xi32>
    %lt3A = arith.constant 0 : i32
    %lt3A_11 = vector.broadcast %lt3A : i32 to vector<224x128xi32>
    %lt3A_12 = arith.cmpi slt, %rem3A_8, %lt3A_11 : vector<224x128xi32>
    %lt3A_13 = arith.constant 0 : i32
    %lt3A_14 = arith.cmpi slt, %select_n3A, %lt3A_13 : i32
    %ne3A_15 = vector.broadcast %lt3A_14 : i1 to vector<224x128xi1>
    %ne3A_16 = vector.broadcast %ne3A_15 : vector<224x128xi1> to vector<224x128xi1>
    %ne3A_17 = arith.xori %lt3A_12, %ne3A_16 : vector<224x128xi1>
    %and3A = arith.andi %ne3A_17, %ne3A_10 : vector<224x128xi1>
    %add3A = vector.broadcast %select_n3A : i32 to vector<224x128xi32>
    %add3A_18 = arith.addi %rem3A_8, %add3A : vector<224x128xi32>
    %select_n3A_19 = arith.select %and3A, %add3A_18, %rem3A_8 : vector<224x128xi1>, vector<224x128xi32>
    %mul3A = arith.constant 2 : i32
    %mul3A_20 = vector.broadcast %mul3A : i32 to vector<224x128xi32>
    %mul3A_21 = arith.muli %mul3A_20, %select_n3A_19 : vector<224x128xi32>
    %ge3A = arith.constant 64 : i32
    %ge3A_22 = vector.broadcast %ge3A : i32 to vector<224x128xi32>
    %ge3A_23 = arith.cmpi sge, %iota3A_5, %ge3A_22 : vector<224x128xi32>
    %convert_element_type3A = arith.extui %ge3A_23 : vector<224x128xi1> to vector<224x128xi32>
    %add3A_24 = arith.addi %mul3A_21, %convert_element_type3A : vector<224x128xi32>
    %sub3A = arith.subf %get3A_1, %get3A_4 : vector<224x128xf32>
    %abs3A = math.absf %sub3A : vector<224x128xf32>
    %get3A_25 = arith.constant 0 : index
    %get3A_26 = arith.constant 0 : index
    %get3A_27 = vector.load %arg0[%get3A_25, %get3A_26] : memref<1x128xf32, #tpu.memory_space<vmem>>, vector<1x128xf32>
    %reduce_sum3A = vector.shape_cast %get3A_27 : vector<1x128xf32> to vector<1x1x128xf32>
    %reduce_sum3A_28 = arith.constant dense<0.000000e+00> : vector<1xf32>
    %reduce_sum3A_29 = vector.multi_reduction <add>, %reduce_sum3A, %reduce_sum3A_28 [1, 2] : vector<1x1x128xf32> to vector<1xf32>
    %reduce_sum3A_30 = vector.shape_cast %reduce_sum3A_29 : vector<1xf32> to vector<1x1x1xf32>
    %reduce_sum3A_31 = vector.extract %reduce_sum3A_30[0, 0, 0] : f32 from vector<1x1x1xf32>
    %div3A = arith.constant 7.864320e+05 : f32
    %div3A_32 = arith.divf %reduce_sum3A_31, %div3A : f32
    %ge3A_33 = arith.constant 0 : i32
    %ge3A_34 = vector.broadcast %ge3A_33 : i32 to vector<224x128xi32>
    %ge3A_35 = arith.cmpi sge, %add3A_24, %ge3A_34 : vector<224x128xi32>
    %lt3A_36 = arith.constant 2 : i32
    %lt3A_37 = vector.broadcast %lt3A_36 : i32 to vector<224x128xi32>
    %lt3A_38 = arith.cmpi slt, %add3A_24, %lt3A_37 : vector<224x128xi32>
    %and3A_39 = arith.andi %ge3A_35, %lt3A_38 : vector<224x128xi1>
    %jit3A_40 = arith.constant 0.000000e+00 : f32
    %broadcast_in_dim3A = vector.broadcast %jit3A_40 : f32 to vector<224x128xf32>
    %select_n3A_41 = arith.select %and3A_39, %abs3A, %broadcast_in_dim3A : vector<224x128xi1>, vector<224x128xf32>
    %reduce_sum3A_42 = vector.shape_cast %select_n3A_41 : vector<224x128xf32> to vector<1x224x128xf32>
    %reduce_sum3A_43 = arith.constant dense<0.000000e+00> : vector<1xf32>
    %reduce_sum3A_44 = vector.multi_reduction <add>, %reduce_sum3A_42, %reduce_sum3A_43 [1, 2] : vector<1x224x128xf32> to vector<1xf32>
    %reduce_sum3A_45 = vector.shape_cast %reduce_sum3A_44 : vector<1xf32> to vector<1x1x1xf32>
    %reduce_sum3A_46 = vector.extract %reduce_sum3A_45[0, 0, 0] : f32 from vector<1x1x1xf32>
    %div3A_47 = arith.constant 4.096000e+03 : f32
    %div3A_48 = arith.divf %reduce_sum3A_46, %div3A_47 : f32
    %ge3A_49 = arith.constant 2 : i32
    %ge3A_50 = vector.broadcast %ge3A_49 : i32 to vector<224x128xi32>
    %ge3A_51 = arith.cmpi sge, %add3A_24, %ge3A_50 : vector<224x128xi32>
    %lt3A_52 = arith.constant 3 : i32
    %lt3A_53 = vector.broadcast %lt3A_52 : i32 to vector<224x128xi32>
    %lt3A_54 = arith.cmpi slt, %add3A_24, %lt3A_53 : vector<224x128xi32>
    %and3A_55 = arith.andi %ge3A_51, %lt3A_54 : vector<224x128xi1>
    %jit3A_56 = arith.constant 0.000000e+00 : f32
    %broadcast_in_dim3A_57 = vector.broadcast %jit3A_56 : f32 to vector<224x128xf32>
    %select_n3A_58 = arith.select %and3A_55, %abs3A, %broadcast_in_dim3A_57 : vector<224x128xi1>, vector<224x128xf32>
    %reduce_sum3A_59 = vector.shape_cast %select_n3A_58 : vector<224x128xf32> to vector<1x224x128xf32>
    %reduce_sum3A_60 = arith.constant dense<0.000000e+00> : vector<1xf32>
    %reduce_sum3A_61 = vector.multi_reduction <add>, %reduce_sum3A_59, %reduce_sum3A_60 [1, 2] : vector<1x224x128xf32> to vector<1xf32>
    %reduce_sum3A_62 = vector.shape_cast %reduce_sum3A_61 : vector<1xf32> to vector<1x1x1xf32>
    %reduce_sum3A_63 = vector.extract %reduce_sum3A_62[0, 0, 0] : f32 from vector<1x1x1xf32>
    %div3A_64 = arith.constant 2.048000e+03 : f32
    %div3A_65 = arith.divf %reduce_sum3A_63, %div3A_64 : f32
    %ge3A_66 = arith.constant 3 : i32
    %ge3A_67 = vector.broadcast %ge3A_66 : i32 to vector<224x128xi32>
    %ge3A_68 = arith.cmpi sge, %add3A_24, %ge3A_67 : vector<224x128xi32>
    %lt3A_69 = arith.constant 6 : i32
    %lt3A_70 = vector.broadcast %lt3A_69 : i32 to vector<224x128xi32>
    %lt3A_71 = arith.cmpi slt, %add3A_24, %lt3A_70 : vector<224x128xi32>
    %and3A_72 = arith.andi %ge3A_68, %lt3A_71 : vector<224x128xi1>
    %jit3A_73 = arith.constant 0.000000e+00 : f32
    %broadcast_in_dim3A_74 = vector.broadcast %jit3A_73 : f32 to vector<224x128xf32>
    %select_n3A_75 = arith.select %and3A_72, %abs3A, %broadcast_in_dim3A_74 : vector<224x128xi1>, vector<224x128xf32>
    %reduce_sum3A_76 = vector.shape_cast %select_n3A_75 : vector<224x128xf32> to vector<1x224x128xf32>
    %reduce_sum3A_77 = arith.constant dense<0.000000e+00> : vector<1xf32>
    %reduce_sum3A_78 = vector.multi_reduction <add>, %reduce_sum3A_76, %reduce_sum3A_77 [1, 2] : vector<1x224x128xf32> to vector<1xf32>
    %reduce_sum3A_79 = vector.shape_cast %reduce_sum3A_78 : vector<1xf32> to vector<1x1x1xf32>
    %reduce_sum3A_80 = vector.extract %reduce_sum3A_79[0, 0, 0] : f32 from vector<1x1x1xf32>
    %div3A_81 = arith.constant 6.144000e+03 : f32
    %div3A_82 = arith.divf %reduce_sum3A_80, %div3A_81 : f32
    %ge3A_83 = arith.constant 6 : i32
    %ge3A_84 = vector.broadcast %ge3A_83 : i32 to vector<224x128xi32>
    %ge3A_85 = arith.cmpi sge, %add3A_24, %ge3A_84 : vector<224x128xi32>
    %lt3A_86 = arith.constant 14 : i32
    %lt3A_87 = vector.broadcast %lt3A_86 : i32 to vector<224x128xi32>
    %lt3A_88 = arith.cmpi slt, %add3A_24, %lt3A_87 : vector<224x128xi32>
    %and3A_89 = arith.andi %ge3A_85, %lt3A_88 : vector<224x128xi1>
    %jit3A_90 = arith.constant 0.000000e+00 : f32
    %broadcast_in_dim3A_91 = vector.broadcast %jit3A_90 : f32 to vector<224x128xf32>
    %select_n3A_92 = arith.select %and3A_89, %abs3A, %broadcast_in_dim3A_91 : vector<224x128xi1>, vector<224x128xf32>
    %reduce_sum3A_93 = vector.shape_cast %select_n3A_92 : vector<224x128xf32> to vector<1x224x128xf32>
    %reduce_sum3A_94 = arith.constant dense<0.000000e+00> : vector<1xf32>
    %reduce_sum3A_95 = vector.multi_reduction <add>, %reduce_sum3A_93, %reduce_sum3A_94 [1, 2] : vector<1x224x128xf32> to vector<1xf32>
    %reduce_sum3A_96 = vector.shape_cast %reduce_sum3A_95 : vector<1xf32> to vector<1x1x1xf32>
    %reduce_sum3A_97 = vector.extract %reduce_sum3A_96[0, 0, 0] : f32 from vector<1x1x1xf32>
    %div3A_98 = arith.constant 1.638400e+04 : f32
    %div3A_99 = arith.divf %reduce_sum3A_97, %div3A_98 : f32
    %swap3A = arith.constant 0 : index
    %swap3A_100 = arith.constant 0 : index
    %swap3A_101 = memref.load %arg4[%swap3A, %swap3A_100] : memref<1x1xf32, #tpu.memory_space<smem>>
    memref.store %div3A_32, %arg4[%swap3A, %swap3A_100] : memref<1x1xf32, #tpu.memory_space<smem>>
    %swap3A_102 = arith.constant 0 : index
    %swap3A_103 = arith.constant 0 : index
    %swap3A_104 = memref.load %arg5[%swap3A_102, %swap3A_103] : memref<1x1xf32, #tpu.memory_space<smem>>
    memref.store %div3A_48, %arg5[%swap3A_102, %swap3A_103] : memref<1x1xf32, #tpu.memory_space<smem>>
    %swap3A_105 = arith.constant 0 : index
    %swap3A_106 = arith.constant 0 : index
    %swap3A_107 = memref.load %arg6[%swap3A_105, %swap3A_106] : memref<1x1xf32, #tpu.memory_space<smem>>
    memref.store %div3A_65, %arg6[%swap3A_105, %swap3A_106] : memref<1x1xf32, #tpu.memory_space<smem>>
    %swap3A_108 = arith.constant 0 : index
    %swap3A_109 = arith.constant 0 : index
    %swap3A_110 = memref.load %arg7[%swap3A_108, %swap3A_109] : memref<1x1xf32, #tpu.memory_space<smem>>
    memref.store %div3A_82, %arg7[%swap3A_108, %swap3A_109] : memref<1x1xf32, #tpu.memory_space<smem>>
    %swap3A_111 = arith.constant 0 : index
    %swap3A_112 = arith.constant 0 : index
    %swap3A_113 = memref.load %arg8[%swap3A_111, %swap3A_112] : memref<1x1xf32, #tpu.memory_space<smem>>
    memref.store %div3A_99, %arg8[%swap3A_111, %swap3A_112] : memref<1x1xf32, #tpu.memory_space<smem>>
    %add3A_114 = arith.addf %div3A_32, %div3A_48 : f32
    %add3A_115 = arith.addf %add3A_114, %div3A_65 : f32
    %add3A_116 = arith.addf %add3A_115, %div3A_82 : f32
    %add3A_117 = arith.addf %add3A_116, %div3A_99 : f32
    %swap3A_118 = arith.constant 0 : index
    %swap3A_119 = arith.constant 0 : index
    %swap3A_120 = memref.load %arg3[%swap3A_118, %swap3A_119] : memref<1x1xf32, #tpu.memory_space<smem>>
    memref.store %add3A_117, %arg3[%swap3A_118, %swap3A_119] : memref<1x1xf32, #tpu.memory_space<smem>>
    return
  }
}

</mosaic_0001>

<sc_bundles>
// kernel: kernel.5.cloned.1.call-start
scs
__scs_entry_jumppad:
0x0: {  	(pc) =	sbr.rel $0x88, $3  }
0x1: {  	(tag) =	ssettag $0x0;
	lr =	simm.s32 $0x1  }
0x2: {  	[smem:$0x3F95] =	sst lr;
	_ =	strace $0xD0000000  }
0x3: {  	_ = 	snop  }
0x4: {  	_ = 	snop  }
0x5: {  	_ = 	snop  }
0x6: {  	_ = 	snop  }
0x7: {  	_ = 	snop  }
__scs_overlays_trampoline_lowered:
0x8: {  	[smem:$0x3FA4] =	sst s0  }
0x9: {  	[smem:$0x3FA5] =	sst s1  }
0xa: {  	[smem:$0x3FA6] =	sst s2  }
0xb: {  	[smem:$0x3FA7] =	sst s3  }
0xc: {  	[smem:$0x3FA8] =	sst s4  }
0xd: {  	[smem:$0x3FA9] =	sst s5  }
0xe: {  	[smem:$0x3FAA] =	sst s6  }
0xf: {  	[smem:$0x3FAB] =	sst s7  }
0x10: {  	[smem:$0x3FAC] =	sst s8  }
0x11: {  	[smem:$0x3FAD] =	sst s9;
	s0 =	simm.s32 @!p0 $0x0  }
0x12: {  	s1 =	sld [smem:$0x3F93];
	s0 =	simm.s32 @p0 $0x1  }
0x13: {  	[smem:$0x3FAE] =	sst s0;
	s0 =	simm.s32 @!p1 $0x0  }
0x14: {  	s2 =	sld [smem:$0x3F92];
	s0 =	simm.s32 @p1 $0x1  }
0x15: {  	[smem:$0x3FAF] =	sst s0;
	s0 =	simm.s32 @!p2 $0x0  }
0x16: {  	s3 =	sld [smem:$0x3FDB];
	s0 =	simm.s32 @p2 $0x1  }
0x17: {  	s4 =	simm.s32 $0x1BF5;
	[smem:$0x3FB1] =	sst s0  }
0x18: {  	s0 =	sld [smem:$0x3F94];
	_ =	swait.ge [sflag:s4], $0x0  }
0x19: {  	s7 =	sld [smem:$0x3F95]  }
0x1a: {  	s8 =	sadd.s32 $0xFFFFE003, lr  }
0x1b: {  	s9 =	sadd.s32 $0xFFFFFEF7, lr;
	s5 =	simm.s32 $0xFFFFFFFF;
	p2 =	slt.u32 s8, $0xFFFFF086  }
0x1c: {  	p1 =	slt.u32 s9, $0xF7A;
	s5 =	simm.s32 @!p2 $0x0  }
0x1d: {  	s5 =	simm.s32 @p1 $0x1;
	p0 =	seq.s32 s7, s2  }
0x1e: {  	s7 =	smul.u32 @!p0 $0xF7A, s2;
	p2 =	seq.s32 @!p0 s5, $0x0  }
0x1f: {  	s9 =	smul.u32 $0xF7A, s1;
	s8 =	simm.s32 @!p0 $0x1BF5;
	p2 =	por !p2, p0  }
0x20: {  	[sflag:s8] =	ssyncset.s32 @!p0 $0xFFFFF086;
	s6 =	sadd.s32 @!p0 s3, s7;
	s7 =	simm.s32 @!p0 $0x108  }
0x21: {  	s3 =	sadd.s32 s3, s9;
	s6 =	sadd.s32 @!p0 $0x88, s6;
	s7 =	simm.s32 @p2 $0x1082  }
0x22: {  	[simem:s7], [sflag:s8] =	dma.local @!p0 [hbm:s6], $0xF7A  }
0x23: {  	s9 =	sor.u32 $0xD0000000, s2;
	s6 =	simm.s32 $0x108;
	_ =	swait.ge @!p0 [sflag:s8], $0x0  }
0x24: {  	s3 =	sadd.s32 $0x88, s3;
	s6 =	simm.s32 @!p1 $0x1082;
	[sflag:s4] =	ssyncset.s32 $0xFFFFF086  }
0x25: {  	[simem:s6], [sflag:s4] =	dma.local [hbm:s3], $0xF7A  }
0x26: {  	[smem:$0x3F95] =	sst s1;
	(tag) =	ssettag s2;
	_ =	strace s9  }
0x27: {  	s1 =	sld [smem:$0x3FA5]  }
0x28: {  	s2 =	sld [smem:$0x3FA6]  }
0x29: {  	s4 =	sld [smem:$0x3FA8]  }
0x2a: {  	p0 =	seq.s32 s5, $0x0;
	s5 =	sld [smem:$0x3FA9]  }
0x2b: {  	s6 =	sld [smem:$0x3FAA]  }
0x2c: {  	s7 =	sld [smem:$0x3FAB]  }
0x2d: {  	s3 =	simm.s32 $0x108;
	s8 =	sld [smem:$0x3FAC]  }
0x2e: {  	s3 =	simm.s32 @!p0 $0x1082;
	s9 =	sld [smem:$0x3FAD]  }
0x2f: {  	lr =	sadd.s32 s0, s3;
	s0 =	sld [smem:$0x3FA4]  }
0x30: {  	s3 =	sld [smem:$0x3FA7]  }
0x31: {  	[smem:$0x3FB0] =	sst s10  }
0x32: {  	s10 =	sld [smem:$0x3FAE];
	_ =	sdelay $0x3  }
0x33: {  	p0 =	seq.s32 s10, $0x1;
	s10 =	sld [smem:$0x3FB0];
	_ =	sdelay $0x3  }
0x34: {  	[smem:$0x3FB0] =	sst s10  }
0x35: {  	s10 =	sld [smem:$0x3FAF];
	_ =	sdelay $0x3  }
0x36: {  	p1 =	seq.s32 s10, $0x1;
	s10 =	sld [smem:$0x3FB0];
	_ =	sdelay $0x3  }
0x37: {  	[smem:$0x3FB0] =	sst s10  }
0x38: {  	s10 =	sld [smem:$0x3FB1]  }
0x39: {  	_ = 	snop;
	(pc) =	sbr.ind lr, $3  }
0x3a: {  	_ = 	snop  }
0x3b: {  	_ = 	snop  }
0x3c: {  	p2 =	seq.s32 s10, $0x1;
	s10 =	sld [smem:$0x3FB0]  }
0x3d: {  	_ =	shalt  }
0x3e: {  	_ =	shalt  }
0x3f: {  	_ =	shalt  }
0x40: {  	_ =	shalt  }
0x41: {  	_ =	shalt  }
0x42: {  	_ =	shalt  }
0x43: {  	_ =	shalt  }
0x44: {  	_ =	shalt  }
0x45: {  	_ =	shalt  }
0x46: {  	_ =	shalt  }
0x47: {  	_ =	shalt  }
0x48: {  	_ =	shalt  }
0x49: {  	_ =	shalt  }
0x4a: {  	_ =	shalt  }
0x4b: {  	_ =	shalt  }
0x4c: {  	_ =	shalt  }
0x4d: {  	_ =	shalt  }
0x4e: {  	_ =	shalt  }
0x4f: {  	_ =	shalt  }
0x50: {  	_ =	shalt  }
0x51: {  	_ =	shalt  }
0x52: {  	_ =	shalt  }
0x53: {  	_ =	shalt  }
0x54: {  	_ =	shalt  }
0x55: {  	_ =	shalt  }
0x56: {  	_ =	shalt  }
0x57: {  	_ =	shalt  }
0x58: {  	_ =	shalt  }
0x59: {  	_ =	shalt  }
0x5a: {  	_ =	shalt  }
0x5b: {  	_ =	shalt  }
0x5c: {  	_ =	shalt  }
0x5d: {  	_ =	shalt  }
0x5e: {  	_ =	shalt  }
0x5f: {  	_ =	shalt  }
0x60: {  	_ =	shalt  }
0x61: {  	_ =	shalt  }
0x62: {  	_ =	shalt  }
0x63: {  	_ =	shalt  }
0x64: {  	_ =	shalt  }
0x65: {  	_ =	shalt  }
0x66: {  	_ =	shalt  }
0x67: {  	_ =	shalt  }
0x68: {  	_ =	shalt  }
0x69: {  	_ =	shalt  }
0x6a: {  	_ =	shalt  }
0x6b: {  	_ =	shalt  }
0x6c: {  	_ =	shalt  }
0x6d: {  	_ =	shalt  }
0x6e: {  	_ =	shalt  }
0x6f: {  	_ =	shalt  }
0x70: {  	_ =	shalt  }
0x71: {  	_ =	shalt  }
0x72: {  	_ =	shalt  }
0x73: {  	_ =	shalt  }
0x74: {  	_ =	shalt  }
0x75: {  	_ =	shalt  }
0x76: {  	_ =	shalt  }
0x77: {  	_ =	shalt  }
0x78: {  	_ =	shalt  }
0x79: {  	_ =	shalt  }
0x7a: {  	_ =	shalt  }
0x7b: {  	_ =	shalt  }
0x7c: {  	_ =	shalt  }
0x7d: {  	_ =	shalt  }
0x7e: {  	_ =	shalt  }
0x7f: {  	_ =	shalt  }
0x80: {  	_ =	shalt  }
0x81: {  	_ =	shalt  }
0x82: {  	_ =	shalt  }
0x83: {  	_ =	shalt  }
0x84: {  	_ =	shalt  }
0x85: {  	_ =	shalt  }
0x86: {  	_ =	shalt  }
0x87: {  	_ =	shalt  }
.Lfunc_end0:
.L_simem_size_0:
called_computation_lowered:
.L_overlay_start_0:
0x88: {  	s2 =	sld [smem:$0x3FD9]  }
0x89: {  	s3 =	sld [smem:$0x3FFE];
	_ =	sdelay $0x1  }
0x8a: {  	s1 =	srdreg.scid  }
0x8b: {  	s0 =	sand.u32 $0x1, s1  }
0x8c: {  	s17 =	sshll.u32 s0, $0xA;
	s2 =	sadd.s32 s3, s2  }
0x8d: {  	s2 =	sadd.s32 s2, s17  }
0x8e: {  	[smem:$0x3FBC] =	sst s2  }
0x8f: {  	_ = 	snop  }
0x90: {  	s2 =	sld [smem:$0x3FC8]  }
0x91: {  	s18 =	sld [smem:$0x3FC7]  }
0x92: {  	s4 =	sld [smem:$0x3FC6]  }
0x93: {  	s5 =	sld [smem:$0x3FC5]  }
0x94: {  	s6 =	sld [smem:$0x3FC3]  }
0x95: {  	s7 =	sld [smem:$0x3FC2];
	(tm) =	ssettm $0x1  }
0x96: {  	s8 =	sld [smem:$0x3FFB];
	_ =	sdelay $0x3  }
0x97: {  	_ =	strace s8  }
0x98: {  	s8 =	sld [smem:$0x3FFC];
	_ =	sdelay $0x3  }
0x99: {  	_ =	strace s8  }
0x9a: {  	s8 =	sld [smem:$0x3FFD];
	_ =	sdelay $0x3  }
0x9b: {  	_ =	strace s8  }
0x9c: {  	_ =	strace $0x8FFFFFFF  }
0x9d: {  	s19 =	sld [smem:$0x3FDB];
	_ =	sdelay $0x1  }
0x9e: {  	s9 =	simm.s32 $_scs_section_size  }
0x9f: {  	s10 =	simm.s32 $_size__tile_overlayer_lowered;
	s11 =	simm.s32 $_tile_overlayer_lowered  }
0xa0: {  	s22 =	simm.s32 $0x1BFF;
	s21 =	sshll.u32 s11, $0x1;
	s8 =	sadd.s32 s9, s19  }
0xa1: {  	s12 =	simm.s32 $0x0;
	s20 =	sshll.u32 s10, $0x1;
	s10 =	sadd.s32 s21, s8  }
0xa2: {  	[timem:s12], [sflag:s22] =	dma.local [hbm:s10], s20  }
0xa3: {  	_ =	swait.ge [sflag:s22], s20  }
0xa4: {  	s9 =	ssub.s32 $0x0, s20;
	[sflag:s22] =	ssyncset.done $0x0  }
0xa5: {  	[sflag:s22] =	ssyncadd.s32 s9;
	_ =	sdelay $0x1  }
0xa6: {  	s23 =	simm.s32 $0x1B8B  }
0xa7: {  	_ =	swait.ge [sflag:s23], $0x1  }
0xa8: {  	[sflag:s23] =	ssyncset.done $0x0  }
0xa9: {  	s25 =	simm.s32 $0x1B8E;
	s24 =	sld [smem:$0x3FFE];
	[sflag:s23] =	ssyncadd.s32 $0xFFFFFFFF  }
0xaa: {  	s26 =	simm.s32 $execute0_lowered;
	[smem:$0x3FD2] =	sst s25  }
0xab: {  	s10 =	sshll.u32 s26, $0x1;
	_ =	strace $0x80000046;
	[dreg:$0x1] =	wrdreg $0xFFFFFFFF  }
0xac: {  	s28 =	simm.s32 $_size_execute0_lowered;
	s8 =	sadd.s32 s8, s10;
	[dreg:$0x0] =	wrdreg $0x0  }
0xad: {  	s10 =	sshll.u32 s28, $0x1;
	[dreg:$0x2] =	wrdreg s8  }
0xae: {  	[dreg:$0x3] =	wrdreg s10  }
0xaf: {  	[dreg:$0x4] =	wrdreg $0xC0  }
0xb0: {  	_ =	task [dreg:s12], $0x5FFFF  }
0xb1: {  	[dreg:$0x1] =	wrdreg $0xFFFFFFFF  }
0xb2: {  	[dreg:$0x0] =	wrdreg $0x60  }
0xb3: {  	[dreg:$0x2] =	wrdreg s7  }
0xb4: {  	[dreg:$0x3] =	wrdreg s6  }
0xb5: {  	[dreg:$0x4] =	wrdreg s2  }
0xb6: {  	[dreg:$0x5] =	wrdreg s18  }
0xb7: {  	[dreg:$0x6] =	wrdreg s4  }
0xb8: {  	[dreg:$0x7] =	wrdreg s5  }
0xb9: {  	[dreg:$0x8] =	wrdreg s24  }
0xba: {  	[dreg:$0x9] =	wrdreg $0x9  }
0xbb: {  	_ =	task.clear_ibuf [dreg:s12], $0xAFFFF;
	_ =	strace $0x90000046  }
0xbc: {  	s29 =	simm.s32 $0x9;
	_ =	strace $0x80000048  }
0xbd: {  	_ =	swait.ge [sflag:s29], $0x1  }
0xbe: {  	[sflag:s29] =	ssyncadd.s32 $0xFFFFFFFF  }
0xbf: {  	_ =	strace $0x90000048  }
0xc0: {  	_ =	sfence  }
0xc1: {  	s30 =	sld [smem:$0x0];
	_ =	sdelay $0x2  }
0xc2: {  	s31 =	sshll.u32 s1, $0xD;
	s1 =	sshrl.u32 s1, $0x2  }
0xc3: {  	s3 =	sand.u32 $0x4000, s31;
	s1 =	sadd.s32 s1, s30  }
0xc4: {  	s0 =	sor.u32 s3, s0;
	s1 =	sshll.u32 s1, $0x11  }
0xc5: {  	s0 =	sor.u32 s1, s0  }
0xc6: {  	s0 =	sadd.s32 $0x8F2B, s0  }
0xc7: {  	[sflag:s0] =	ssyncadd.remote.s32 $0x1  }
0xc8: {  	_ =	sfence.sel $0xFFFF  }
0xc9: {  	[dreg:$0x0] =	wrdreg $0xFFFFFFFF;
	(pc) =	sbr.abs _section_cstart, $3  }
0xca: {  	[dreg:$0x1] =	wrdreg $0xFFFFFFFF  }
0xcb: {  	_ =	task.clear_ibuf [dreg:s12], $0x2FFFF;
	_ =	strace $0x9FFFFFFF  }
0xcc: {  	(tm) =	ssettm $0x7FFFFFFF  }
0xcd: {  	_ =	shalt  }
tec
execute0_lowered:
.L_overlay_start_1:
0x0: {  	(tag) =	ssettag $0x1  }
0x1: {  	s8 =	rddreg [dreg:$0x0]  }
0x2: {  	s9 =	rddreg [dreg:$0x1]  }
0x3: {  	s1 =	rddreg [dreg:$0x2]  }
0x4: {  	s2 =	rddreg [dreg:$0x3]  }
0x5: {  	s3 =	rddreg [dreg:$0x4]  }
0x6: {  	s4 =	rddreg [dreg:$0x5]  }
0x7: {  	s7 =	rddreg [dreg:$0x6]  }
0x8: {  	s5 =	srdreg.scid;
	s0 =	rddreg [dreg:$0x7]  }
0x9: {  	s6 =	simm.s32 $0x0;
	s15 =	simm.s32 $0x600;
	s10 =	sand.u32 $0x1, s5  }
0xa: {  	s5 =	stileid.u32;
	[smem:$0x7FF] =	sst s6;
	s11 =	sshll.u32 s10, $0x4  }
0xb: {  	_ =	strace $0x80000047;
	s13 =	sand.u32 $0x1, s5;
	s10 =	ssub.s32 $0x2, s10  }
0xc: {  	s11 =	sor.u32 s5, s11;
	p1 =	seq.s32 s13, $0x1;
	s17 =	sshrl.u32 s10, $0x1  }
0xd: {  	s13 =	simm.s32 $0x80;
	s12 =	smul.u32 $0x70, s11;
	p0 =	seq.s32 s11, $0x0  }
0xe: {  	s18 =	ssub.s32 s10, s17;
	s14 =	sshrl.u32 s11, $0x1;
	s11 =	sshll.u32 s11, $0x3  }
0xf: {  	s10 =	simm.s32 $0x1;
	p0 =	por !p0, !p1;
	s8 =	sadd.s32 s8, s11  }
0x10: {  	s9 =	sadd.s32 s9, s11;
	s11 =	smax.u32 s18, $0x1;
	p0 =	por !p0, !p0  }
0x11: {  	s18 =	simm.s32 $0x680;
	s12 =	sadd.s32 s12, s7;
	s10 =	simm.s32 @!p0 $0x0  }
0x12: {  	s7 =	simm.s32 $0x1;
	s10 =	ssub.s32 s14, s10;
	s14 =	simm.s32 $0x100  }
0x13: {  	s16 =	sshll.u32 s10, $0xF;
	s19 =	smul.u32 $0xC000, s10;
	s20 =	sshll.u32 s10, $0xE  }
0x14: {  	s22 =	sshll.u32 s10, $0x11;
	s10 =	sadd.s32 $0x1200, s12;
	s12 =	simm.s32 $0x2  }
0x15: {  	s17 =	sor.u32 $0x4000, s16;
	s24 =	sor.u32 $0x4000, s22;
	s25 =	sor.u32 $0x8000, s22  }
0x16: {  	s26 =	sor.u32 $0xC000, s22;
	s28 =	sor.u32 $0x10000, s22;
	s29 =	sor.u32 $0x14000, s22  }
0x17: {  	s30 =	sor.u32 $0x18000, s22;
	s31 =	sor.u32 $0x1C000, s22;
	v0 =	vmov s16;
	s16 =	simm.s32 $0x40  }
0x18: {  	v2 =	vmov s20;
	s20 =	simm.s32 $0x6C0;
	v6 =	vmov s22;
	s22 =	simm.s32 $0x740;
	s21 =	sadd.s32 $0x4000, s19  }
0x19: {  	s23 =	sadd.s32 $0x8000, s19;
	v1 =	vmov s17;
	s17 =	simm.s32 $0x500;
	v3 =	vmov s19;
	s19 =	simm.s32 $0x180  }
0x1a: {  	v7 =	vmov s24;
	s24 =	simm.s32 $0x780;
	v8 =	vmov s25;
	v9 =	vmov s26;
	s25 =	simm.s32 $0x280;
	s26 =	simm.s32 $0x800  }
0x1b: {  	v10 =	vmov s28;
	s28 =	simm.s32 $0x300;
	v11 =	vmov s29;
	v12 =	vmov s30;
	s29 =	simm.s32 $0x880;
	s30 =	simm.s32 $0x380  }
0x1c: {  	v13 =	vmov s31;
	s31 =	simm.s32 $0x900;
	v4 =	vmov s21;
	s21 =	simm.s32 $0x580;
	v5 =	vmov s23;
	s23 =	simm.s32 $0x200  }
.LBB2_1:
0x1d: {  	[tilespmem:s6], [sflag:$0x2] =	stream.linear.gather [hbm4b:s8+s6], $0x40, $0x38;
	[tilespmem:$0x980] =	vst v63  }
0x1e: {  	_ =	swait.ge [sflag:s12], $0x40  }
0x1f: {  	[sflag:s12] =	ssyncset.done $0x0  }
0x20: {  	[sflag:s12] =	ssyncadd.s32 $0xFFFFFFC0  }
0x21: {  	[tilespmem:s13], [sflag:$0x2] =	stream.linear.gather [hbm4b:s9+s6], $0x40, $0x38;
	[tilespmem:$0x980] =	vst v63  }
0x22: {  	_ =	swait.ge [sflag:s12], $0x40  }
0x23: {  	[sflag:s12] =	ssyncset.done $0x0  }
0x24: {  	[sflag:s12] =	ssyncadd.s32 $0xFFFFFFC0  }
0x25: {  	v14 =	vld [tilespmem:$0x0]  }
0x26: {  	v15 =	vld [tilespmem:$0x10]  }
0x27: {  	v16 =	vld [tilespmem:$0x20]  }
0x28: {  	v17 =	vld [tilespmem:$0x30]  }
0x29: {  	v18 =	vld [tilespmem:$0x0]  }
0x2a: {  	v19 =	vld [tilespmem:$0x10];
	v14 =	vadd.s32 v0, v14  }
0x2b: {  	[tilespmem:$0x100] =	vst v14;
	v14 =	vadd.s32 v0, v15;
	v15 =	vld [tilespmem:$0x20]  }
0x2c: {  	v37 =	vld [tilespmem:$0x30];
	[tilespmem:$0x110] =	vst v14;
	v14 =	vadd.s32 v0, v16  }
0x2d: {  	v38 =	vld [tilespmem:$0x0];
	[tilespmem:$0x120] =	vst v14;
	v14 =	vadd.s32 v0, v17  }
0x2e: {  	v39 =	vld [tilespmem:$0x10];
	[tilespmem:$0x130] =	vst v14;
	v14 =	vadd.s32 v1, v18  }
0x2f: {  	v40 =	vld [tilespmem:$0x20];
	[tilespmem:$0x140] =	vst v14;
	v14 =	vadd.s32 v1, v19  }
0x30: {  	[tilespmem:$0x150] =	vst v14;
	v14 =	vadd.s32 v1, v15;
	v15 =	vld [tilespmem:$0x30]  }
0x31: {  	v41 =	vld [tilespmem:$0x0];
	[tilespmem:$0x160] =	vst v14;
	v14 =	vadd.s32 v1, v37  }
0x32: {  	v42 =	vld [tilespmem:$0x10];
	[tilespmem:$0x170] =	vst v14;
	v14 =	vadd.s32 v2, v38  }
0x33: {  	v43 =	vld [tilespmem:$0x20];
	[tilespmem:$0x500] =	vst v14;
	v14 =	vadd.s32 v2, v39  }
0x34: {  	v44 =	vld [tilespmem:$0x30];
	[tilespmem:$0x510] =	vst v14;
	v14 =	vadd.s32 v2, v40  }
0x35: {  	[tilespmem:$0x520] =	vst v14;
	v14 =	vadd.s32 v2, v15;
	v15 =	vld [tilespmem:$0x0]  }
0x36: {  	v45 =	vld [tilespmem:$0x10];
	[tilespmem:$0x530] =	vst v14;
	v14 =	vadd.s32 v3, v41  }
0x37: {  	v46 =	vld [tilespmem:$0x20];
	[tilespmem:$0x180] =	vst v14;
	v14 =	vadd.s32 v3, v42  }
0x38: {  	v47 =	vld [tilespmem:$0x30];
	[tilespmem:$0x190] =	vst v14;
	v14 =	vadd.s32 v3, v43  }
0x39: {  	v48 =	vld [tilespmem:$0x0];
	[tilespmem:$0x1A0] =	vst v14;
	v14 =	vadd.s32 v3, v44  }
0x3a: {  	[tilespmem:$0x1B0] =	vst v14;
	v14 =	vadd.s32 v4, v15;
	v15 =	vld [tilespmem:$0x10]  }
0x3b: {  	v49 =	vld [tilespmem:$0x20];
	[tilespmem:$0x1C0] =	vst v14;
	v14 =	vadd.s32 v4, v45  }
0x3c: {  	v50 =	vld [tilespmem:$0x30];
	[tilespmem:$0x1D0] =	vst v14;
	v14 =	vadd.s32 v4, v46  }
0x3d: {  	v51 =	vld [tilespmem:$0x0];
	[tilespmem:$0x1E0] =	vst v14;
	v14 =	vadd.s32 v4, v47  }
0x3e: {  	v52 =	vld [tilespmem:$0x10];
	[tilespmem:$0x1F0] =	vst v14;
	v14 =	vadd.s32 v5, v48  }
0x3f: {  	[tilespmem:$0x580] =	vst v14;
	v14 =	vadd.s32 v5, v15;
	v15 =	vld [tilespmem:$0x20]  }
0x40: {  	v53 =	vld [tilespmem:$0x30];
	[tilespmem:$0x590] =	vst v14;
	v14 =	vadd.s32 v5, v49  }
0x41: {  	v54 =	vld [tilespmem:$0x0];
	[tilespmem:$0x5A0] =	vst v14;
	v14 =	vadd.s32 v5, v50  }
0x42: {  	v55 =	vld [tilespmem:$0x10];
	[tilespmem:$0x5B0] =	vst v14;
	v14 =	vadd.s32 v6, v51  }
0x43: {  	v56 =	vld [tilespmem:$0x20];
	[tilespmem:$0x200] =	vst v14;
	v14 =	vadd.s32 v6, v52  }
0x44: {  	[tilespmem:$0x210] =	vst v14;
	v14 =	vadd.s32 v6, v15;
	v15 =	vld [tilespmem:$0x30]  }
0x45: {  	v57 =	vld [tilespmem:$0x0];
	[tilespmem:$0x220] =	vst v14;
	v14 =	vadd.s32 v6, v53  }
0x46: {  	v58 =	vld [tilespmem:$0x10];
	[tilespmem:$0x230] =	vst v14;
	v14 =	vadd.s32 v7, v54  }
0x47: {  	v59 =	vld [tilespmem:$0x20];
	[tilespmem:$0x240] =	vst v14;
	v14 =	vadd.s32 v7, v55  }
0x48: {  	v60 =	vld [tilespmem:$0x30];
	[tilespmem:$0x250] =	vst v14;
	v14 =	vadd.s32 v7, v56  }
0x49: {  	[tilespmem:$0x260] =	vst v14;
	v14 =	vadd.s32 v7, v15;
	v15 =	vld [tilespmem:$0x0]  }
0x4a: {  	v61 =	vld [tilespmem:$0x10];
	[tilespmem:$0x270] =	vst v14;
	v14 =	vadd.s32 v8, v57  }
0x4b: {  	v62 =	vld [tilespmem:$0x20];
	[tilespmem:$0x280] =	vst v14;
	v14 =	vadd.s32 v8, v58  }
0x4c: {  	v63 =	vld [tilespmem:$0x30];
	[tilespmem:$0x290] =	vst v14;
	v14 =	vadd.s32 v8, v59  }
0x4d: {  	v21 =	vld [tilespmem:$0x0];
	[tilespmem:$0x2A0] =	vst v14;
	v14 =	vadd.s32 v8, v60  }
0x4e: {  	[tilespmem:$0x2B0] =	vst v14;
	v14 =	vadd.s32 v9, v15;
	v15 =	vld [tilespmem:$0x10]  }
0x4f: {  	v22 =	vld [tilespmem:$0x20];
	[tilespmem:$0x2C0] =	vst v14;
	v14 =	vadd.s32 v9, v61  }
0x50: {  	v23 =	vld [tilespmem:$0x30];
	[tilespmem:$0x2D0] =	vst v14;
	v14 =	vadd.s32 v9, v62  }
0x51: {  	v24 =	vld [tilespmem:$0x0];
	[tilespmem:$0x2E0] =	vst v14;
	v14 =	vadd.s32 v9, v63  }
0x52: {  	v25 =	vld [tilespmem:$0x10];
	[tilespmem:$0x2F0] =	vst v14;
	v14 =	vadd.s32 v10, v21  }
0x53: {  	[tilespmem:$0x300] =	vst v14;
	v14 =	vadd.s32 v10, v15;
	v15 =	vld [tilespmem:$0x20]  }
0x54: {  	v26 =	vld [tilespmem:$0x30];
	[tilespmem:$0x310] =	vst v14;
	v14 =	vadd.s32 v10, v22  }
0x55: {  	v27 =	vld [tilespmem:$0x0];
	[tilespmem:$0x320] =	vst v14;
	v14 =	vadd.s32 v10, v23  }
0x56: {  	v28 =	vld [tilespmem:$0x10];
	[tilespmem:$0x330] =	vst v14;
	v14 =	vadd.s32 v11, v24  }
0x57: {  	v29 =	vld [tilespmem:$0x20];
	[tilespmem:$0x340] =	vst v14;
	v14 =	vadd.s32 v11, v25  }
0x58: {  	[tilespmem:$0x350] =	vst v14;
	v14 =	vadd.s32 v11, v15;
	v15 =	vld [tilespmem:$0x30]  }
0x59: {  	v30 =	vld [tilespmem:$0x0];
	[tilespmem:$0x360] =	vst v14;
	v14 =	vadd.s32 v11, v26  }
0x5a: {  	v31 =	vld [tilespmem:$0x10];
	[tilespmem:$0x370] =	vst v14;
	v14 =	vadd.s32 v12, v27  }
0x5b: {  	v32 =	vld [tilespmem:$0x20];
	[tilespmem:$0x380] =	vst v14;
	v14 =	vadd.s32 v12, v28  }
0x5c: {  	v33 =	vld [tilespmem:$0x30];
	[tilespmem:$0x390] =	vst v14;
	v14 =	vadd.s32 v12, v29  }
0x5d: {  	[tilespmem:$0x3A0] =	vst v14;
	v14 =	vadd.s32 v12, v15  }
0x5e: {  	[tilespmem:$0x3B0] =	vst v14;
	v14 =	vadd.s32 v13, v30  }
0x5f: {  	[tilespmem:$0x3C0] =	vst v14;
	v14 =	vadd.s32 v13, v31  }
0x60: {  	[tilespmem:$0x3D0] =	vst v14;
	v14 =	vadd.s32 v13, v32  }
0x61: {  	[tilespmem:$0x3E0] =	vst v14;
	v14 =	vadd.s32 v13, v33  }
0x62: {  	[tilespmem:$0x3F0] =	vst v14  }
0x63: {  	[tilespmem:s15], [sflag:$0x1] =	stream.indirect.gather [hbm4b:s1+s13], $0x1, s14, s13, $0xb8;
	[tilespmem:$0x980] =	vst v63  }
0x64: {  	_ = 	snop  }
0x65: {  	[tilespmem:s18], [sflag:$0x1] =	stream.indirect.gather [hbm4b:s2+s16], $0x1, s17, s16, $0xb8;
	[tilespmem:$0x980] =	vst v63  }
0x66: {  	_ = 	snop  }
0x67: {  	[tilespmem:s20], [sflag:$0x1] =	stream.indirect.gather [hbm4b:s3+s13], $0x1, s19, s13, $0xb8;
	[tilespmem:$0x980] =	vst v63  }
0x68: {  	_ = 	snop  }
0x69: {  	[tilespmem:s22], [sflag:$0x1] =	stream.indirect.gather [hbm4b:s3+s16], $0x1, s21, s16, $0xb8;
	[tilespmem:$0x980] =	vst v63  }
0x6a: {  	_ = 	snop  }
0x6b: {  	[tilespmem:s24], [sflag:$0x1] =	stream.indirect.gather [hbm4b:s4+s13], $0x1, s23, s13, $0xb8;
	[tilespmem:$0x980] =	vst v63  }
0x6c: {  	_ = 	snop  }
0x6d: {  	[tilespmem:s26], [sflag:$0x1] =	stream.indirect.gather [hbm4b:s4+s13], $0x1, s25, s13, $0xb8;
	[tilespmem:$0x980] =	vst v63  }
0x6e: {  	_ = 	snop  }
0x6f: {  	[tilespmem:s29], [sflag:$0x1] =	stream.indirect.gather [hbm4b:s4+s13], $0x1, s28, s13, $0xb8;
	[tilespmem:$0x980] =	vst v63  }
0x70: {  	_ = 	snop  }
0x71: {  	[tilespmem:s31], [sflag:$0x1] =	stream.indirect.gather [hbm4b:s4+s13], $0x1, s30, s13, $0xb8;
	[tilespmem:$0x980] =	vst v63  }
0x72: {  	_ =	swait.ge [sflag:s7], $0x80  }
0x73: {  	[sflag:s7] =	ssyncset.done $0x0  }
0x74: {  	[sflag:s7] =	ssyncadd.s32 $0xFFFFFF80  }
0x75: {  	_ =	swait.ge [sflag:s7], $0x40  }
0x76: {  	[sflag:s7] =	ssyncset.done $0x0  }
0x77: {  	[sflag:s7] =	ssyncadd.s32 $0xFFFFFFC0  }
0x78: {  	_ =	swait.ge [sflag:s7], $0x80  }
0x79: {  	[sflag:s7] =	ssyncset.done $0x0  }
0x7a: {  	[sflag:s7] =	ssyncadd.s32 $0xFFFFFF80  }
0x7b: {  	_ =	swait.ge [sflag:s7], $0x40  }
0x7c: {  	[sflag:s7] =	ssyncset.done $0x0  }
0x7d: {  	[sflag:s7] =	ssyncadd.s32 $0xFFFFFFC0  }
0x7e: {  	_ =	swait.ge [sflag:s7], $0x80  }
0x7f: {  	[sflag:s7] =	ssyncset.done $0x0  }
0x80: {  	[sflag:s7] =	ssyncadd.s32 $0xFFFFFF80  }
0x81: {  	_ =	swait.ge [sflag:s7], $0x80  }
0x82: {  	[sflag:s7] =	ssyncset.done $0x0  }
0x83: {  	[sflag:s7] =	ssyncadd.s32 $0xFFFFFF80  }
0x84: {  	_ =	swait.ge [sflag:s7], $0x80  }
0x85: {  	[sflag:s7] =	ssyncset.done $0x0  }
0x86: {  	[sflag:s7] =	ssyncadd.s32 $0xFFFFFF80  }
0x87: {  	_ =	swait.ge [sflag:s7], $0x80  }
0x88: {  	[sflag:s7] =	ssyncset.done $0x0  }
0x89: {  	[sflag:s7] =	ssyncadd.s32 $0xFFFFFF80  }
0x8a: {  	v14 =	vld [tilespmem:$0x680];
	_ =	sdelay $0x4  }
0x8b: {  	v14 =	vsub.f32 $0.0e+00, v14;
	_ =	sdelay $0x1  }
0x8c: {  	v14 =	vmul.f32 $1.442695020e+00, v14;
	_ =	sdelay $0x1  }
0x8d: {  	(erf) = vpow2.f32 v14;
	_ =	sdelay $0x8  }
0x8e: {  	v14 =	vpop (erf)  }
0x8f: {  	v14 =	vadd.f32 $1.000000000e+00, v14;
	_ =	sdelay $0x1  }
0x90: {  	(erf) = vrcp.f32 v14;
	_ =	sdelay $0x3  }
0x91: {  	v14 =	vld [tilespmem:$0x690];
	_ =	sdelay $0x4  }
0x92: {  	v14 =	vsub.f32 $0.0e+00, v14;
	v15 =	vpop (erf)  }
0x93: {  	v15 =	vadd.f32 $9.999999970e-07, v15  }
0x94: {  	v14 =	vmul.f32 $1.442695020e+00, v14  }
0x95: {  	(erf) = vrcp.f32 v15  }
0x96: {  	(erf) = vpow2.f32 v14;
	_ =	sdelay $0x7  }
0x97: {  	v14 =	vpop (erf)  }
0x98: {  	v15 =	vpop (erf)  }
0x99: {  	v15 =	vadd.f32 $1.000000000e+00, v15;
	_ =	sdelay $0x1  }
0x9a: {  	(erf) = vrcp.f32 v15;
	_ =	sdelay $0x3  }
0x9b: {  	v15 =	vld [tilespmem:$0x6A0];
	_ =	sdelay $0x4  }
0x9c: {  	v15 =	vsub.f32 $0.0e+00, v15;
	v34 =	vpop (erf)  }
0x9d: {  	v16 =	vadd.f32 $9.999999970e-07, v34  }
0x9e: {  	v15 =	vmul.f32 $1.442695020e+00, v15  }
0x9f: {  	(erf) = vrcp.f32 v16  }
0xa0: {  	(erf) = vpow2.f32 v15;
	_ =	sdelay $0x4  }
0xa1: {  	v36 =	vld [tilespmem:$0x80];
	_ =	sdelay $0x1  }
0xa2: {  	v37 =	vld [tilespmem:$0x6B0]  }
0xa3: {  	v38 =	vld [tilespmem:$0x600];
	v15 =	vpop (erf)  }
0xa4: {  	v21 =	vld [tilespmem:$0x700];
	v35 =	vpop (erf)  }
0xa5: {  	v39 =	vld [tilespmem:$0x640];
	v17 =	vcvt.s32.f32 v36;
	v14 =	vadd.f32 $-1.000000000e+00, v14;
	v16 =	vadd.f32 $1.000000000e+00, v35  }
0xa6: {  	v23 =	vld [tilespmem:$0x780]  }
0xa7: {  	v20 =	vld [tilespmem:$0x6C0];
	[tilespmem:$0x680] =	vst v14;
	v14 =	vmul.f32 v17, v14;
	(erf) = vrcp.f32 v16  }
0xa8: {  	v40 =	vld [tilespmem:$0x800]  }
0xa9: {  	v22 =	vld [tilespmem:$0x740];
	[tilespmem:$0x680] =	vst v14;
	v14 =	vmul.f32 v17, v21  }
0xaa: {  	v43 =	vld [tilespmem:$0x880];
	v18 =	vmul.f32 v17, v38  }
0xab: {  	v46 =	vld [tilespmem:$0x900];
	[tilespmem:$0x700] =	vst v14;
	v14 =	vmul.f32 v17, v23  }
0xac: {  	v48 =	vld [tilespmem:$0x90];
	v19 =	vmul.f32 v17, v39;
	[tilespmem:$0x600] =	vst v18  }
0xad: {  	v24 =	vld [tilespmem:$0x7C0];
	[tilespmem:$0x780] =	vst v14;
	v14 =	vmul.f32 v17, v40  }
0xae: {  	v51 =	vld [tilespmem:$0x610];
	v41 =	vmul.f32 v17, v20;
	[tilespmem:$0x640] =	vst v19  }
0xaf: {  	v42 =	vld [tilespmem:$0x840];
	[tilespmem:$0x800] =	vst v14;
	v14 =	vmul.f32 v17, v43  }
0xb0: {  	v29 =	vld [tilespmem:$0xA0];
	v44 =	vmul.f32 v17, v22;
	[tilespmem:$0x6C0] =	vst v41;
	v16 =	vsub.f32 $0.0e+00, v37;
	v25 =	vpop (erf)  }
0xb1: {  	v45 =	vld [tilespmem:$0x8C0];
	v19 =	vcvt.s32.f32 v48;
	[tilespmem:$0x880] =	vst v14;
	v14 =	vmul.f32 v17, v46;
	v25 =	vadd.f32 $9.999999970e-07, v25  }
0xb2: {  	v49 =	vld [tilespmem:$0x940];
	v47 =	vmul.f32 v17, v24;
	[tilespmem:$0x740] =	vst v44;
	v16 =	vmul.f32 $1.442695020e+00, v16  }
0xb3: {  	v31 =	vld [tilespmem:$0x660];
	[tilespmem:$0x900] =	vst v14;
	v14 =	vmul.f32 v19, v51;
	(erf) = vrcp.f32 v25  }
0xb4: {  	v33 =	vld [tilespmem:$0x6E0];
	[tilespmem:$0x7C0] =	vst v47;
	v15 =	vadd.f32 $-1.000000000e+00, v15;
	(erf) = vpow2.f32 v16  }
0xb5: {  	v52 =	vld [tilespmem:$0x650];
	v32 =	vcvt.s32.f32 v29;
	v50 =	vmul.f32 v17, v42;
	[tilespmem:$0x610] =	vst v14  }
0xb6: {  	v53 =	vmul.f32 v17, v45;
	[tilespmem:$0x690] =	vst v15;
	v14 =	vmul.f32 v19, v15;
	v15 =	vld [tilespmem:$0x7D0]  }
0xb7: {  	v56 =	vld [tilespmem:$0x710];
	v55 =	vmul.f32 v17, v49;
	[tilespmem:$0x840] =	vst v50  }
0xb8: {  	v24 =	vld [tilespmem:$0x850];
	v36 =	vmul.f32 v32, v31;
	[tilespmem:$0x8C0] =	vst v53  }
0xb9: {  	v60 =	vld [tilespmem:$0x790];
	v39 =	vmul.f32 v32, v33;
	[tilespmem:$0x940] =	vst v55  }
0xba: {  	v26 =	vld [tilespmem:$0x890];
	[tilespmem:$0x660] =	vst v36;
	v59 =	vmul.f32 v19, v52  }
0xbb: {  	v63 =	vld [tilespmem:$0x810];
	[tilespmem:$0x6E0] =	vst v39;
	v15 =	vmul.f32 v19, v15  }
0xbc: {  	v28 =	vld [tilespmem:$0x910];
	[tilespmem:$0x650] =	vst v59;
	v58 =	vpop (erf)  }
0xbd: {  	v45 =	vld [tilespmem:$0xB0];
	[tilespmem:$0x7D0] =	vst v15;
	v15 =	vmul.f32 v19, v24;
	v61 =	vpop (erf)  }
0xbe: {  	v54 =	vld [tilespmem:$0x6D0];
	[tilespmem:$0x690] =	vst v14;
	v14 =	vmul.f32 v19, v56;
	v23 =	vadd.f32 $1.000000000e+00, v61  }
0xbf: {  	v49 =	vld [tilespmem:$0x670];
	[tilespmem:$0x850] =	vst v15;
	v15 =	vmul.f32 v19, v26  }
0xc0: {  	v53 =	vld [tilespmem:$0x770];
	[tilespmem:$0x710] =	vst v14;
	v14 =	vmul.f32 v19, v60;
	(erf) = vrcp.f32 v23  }
0xc1: {  	v27 =	vld [tilespmem:$0x8D0];
	[tilespmem:$0x890] =	vst v15;
	v15 =	vmul.f32 v19, v28  }
0xc2: {  	v30 =	vld [tilespmem:$0x950];
	v50 =	vcvt.s32.f32 v45;
	[tilespmem:$0x790] =	vst v14;
	v14 =	vmul.f32 v19, v63  }
0xc3: {  	v62 =	vmul.f32 v19, v54;
	[tilespmem:$0x910] =	vst v15;
	v15 =	vld [tilespmem:$0x760]  }
0xc4: {  	v54 =	vmul.f32 v50, v49;
	[tilespmem:$0x810] =	vst v14;
	v14 =	vld [tilespmem:$0x620]  }
0xc5: {  	v38 =	vld [tilespmem:$0x7E0];
	[tilespmem:$0x6D0] =	vst v62;
	v59 =	vmul.f32 v50, v53  }
0xc6: {  	[tilespmem:$0x670] =	vst v54;
	v21 =	vmul.f32 v19, v27  }
0xc7: {  	[tilespmem:$0x770] =	vst v59;
	v17 =	vmul.f32 v19, v30  }
0xc8: {  	v41 =	vld [tilespmem:$0x860];
	[tilespmem:$0x8D0] =	vst v21;
	v15 =	vmul.f32 v32, v15  }
0xc9: {  	[tilespmem:$0x950] =	vst v17;
	v35 =	vld [tilespmem:$0x720];
	v14 =	vmul.f32 v32, v14;
	v34 =	vpop (erf)  }
0xca: {  	v43 =	vld [tilespmem:$0x8E0];
	[tilespmem:$0x760] =	vst v15;
	v15 =	vmul.f32 v32, v38;
	v20 =	vadd.f32 $-1.000000000e+00, v58;
	v21 =	vadd.f32 $9.999999970e-07, v34  }
0xcb: {  	v37 =	vld [tilespmem:$0x7A0];
	[tilespmem:$0x620] =	vst v14  }
0xcc: {  	v44 =	vld [tilespmem:$0x920];
	[tilespmem:$0x7E0] =	vst v15;
	v14 =	vmul.f32 v32, v20;
	(erf) = vrcp.f32 v21  }
0xcd: {  	v40 =	vld [tilespmem:$0x820];
	v15 =	vmul.f32 v32, v41;
	[tilespmem:$0x6A0] =	vst v20  }
0xce: {  	v47 =	vld [tilespmem:$0x630];
	[tilespmem:$0x6A0] =	vst v14;
	v14 =	vmul.f32 v32, v35  }
0xcf: {  	v42 =	vld [tilespmem:$0x8A0];
	[tilespmem:$0x860] =	vst v15;
	v15 =	vmul.f32 v32, v43  }
0xd0: {  	v51 =	vld [tilespmem:$0x6F0];
	[tilespmem:$0x720] =	vst v14;
	v14 =	vmul.f32 v32, v37  }
0xd1: {  	[tilespmem:$0x8E0] =	vst v15;
	v15 =	vmul.f32 v32, v44  }
0xd2: {  	v57 =	vld [tilespmem:$0x750];
	[tilespmem:$0x7A0] =	vst v14;
	v14 =	vmul.f32 v32, v40  }
0xd3: {  	[tilespmem:$0x920] =	vst v15;
	v15 =	vmul.f32 v50, v47  }
0xd4: {  	v46 =	vld [tilespmem:$0x960];
	[tilespmem:$0x820] =	vst v14;
	v14 =	vmul.f32 v32, v42  }
0xd5: {  	v52 =	vld [tilespmem:$0x730];
	v56 =	vmul.f32 v50, v51;
	[tilespmem:$0x630] =	vst v15;
	v48 =	vpop (erf)  }
0xd6: {  	v15 =	vld [tilespmem:$0x7F0];
	[tilespmem:$0x8A0] =	vst v14;
	v14 =	vadd.f32 $-1.000000000e+00, v48  }
0xd7: {  	v55 =	vld [tilespmem:$0x7B0];
	[tilespmem:$0x6F0] =	vst v56;
	v25 =	vmul.f32 v19, v57  }
0xd8: {  	v58 =	vld [tilespmem:$0x870];
	[tilespmem:$0x6B0] =	vst v14;
	v14 =	vmul.f32 v50, v14  }
0xd9: {  	v57 =	vld [tilespmem:$0x830];
	v16 =	vmul.f32 v32, v46;
	[tilespmem:$0x750] =	vst v25  }
0xda: {  	v61 =	vld [tilespmem:$0x8F0];
	[tilespmem:$0x6B0] =	vst v14;
	v14 =	vmul.f32 v50, v52  }
0xdb: {  	v60 =	vld [tilespmem:$0x8B0];
	[tilespmem:$0x960] =	vst v16;
	v15 =	vmul.f32 v50, v15  }
0xdc: {  	v63 =	vld [tilespmem:$0x970];
	[tilespmem:$0x730] =	vst v14;
	v14 =	vmul.f32 v50, v55  }
0xdd: {  	v62 =	vld [tilespmem:$0x930];
	[tilespmem:$0x7F0] =	vst v15;
	v15 =	vmul.f32 v50, v58  }
0xde: {  	[tilespmem:$0x7B0] =	vst v14;
	v14 =	vmul.f32 v50, v57  }
0xdf: {  	[tilespmem:$0x870] =	vst v15;
	v15 =	vmul.f32 v50, v61  }
0xe0: {  	[tilespmem:$0x830] =	vst v14;
	v14 =	vmul.f32 v50, v60  }
0xe1: {  	[tilespmem:$0x8F0] =	vst v15;
	v15 =	vmul.f32 v50, v63  }
0xe2: {  	[tilespmem:$0x8B0] =	vst v14;
	v14 =	vmul.f32 v50, v62  }
0xe3: {  	p0 =	sne.s32 s11, $0x1;
	[tilespmem:$0x970] =	vst v15  }
.Ltmp0:
0xe4: {  	[tilespmem:$0x930] =	vst v14;
	(pc) =	sbr.rel @p0 .LBB2_1-.Ltmp0, $4  }
0xe5: {  	[hbm4b:s10+s6] =	stream.linear.scatter [tilespmem:s15], [sflag:$0x2], $0x380, $0x38;
	[tilespmem:$0x980] =	vst v63  }
0xe6: {  	_ =	swait.ge [sflag:s12], $0x380  }
0xe7: {  	[sflag:s12] =	ssyncset.done $0x0  }
0xe8: {  	s11 =	sadd.s32 $0xFFFFFFFF, s11;
	[sflag:s12] =	ssyncadd.s32 $0xFFFFFC80  }
0xe9: {  	_ =	sfence.sel $0x180000  }
0xea: {  	[bflag:$0x0] =	sbarrier.arrive $0xFFFF  }
0xeb: {  	p0 =	sne.s32 s5, $0x0;
	_ =	strace $0x90000047  }
0xec: {  	s0 =	sadd.s32 @!p0 $0x100000, s0;
	[bflag:$0x2] =	sbarrier.arrive $0xFFFF  }
0xed: {  	[sflag:s0] =	ssyncadd.tile.s32 @!p0 $0x1;
	_ =	shalt  }
.Lfunc_end2:
_tile_overlayer_lowered:
.L_overlay_start_2:
0xee: {  	(tag) =	ssettag $0x2  }
0xef: {  	s0 =	rddreg [dreg:$0x0];
	s2 =	stileid.u32  }
0xf0: {  	s1 =	rddreg [dreg:$0x1];
	p0 =	sne.s32 s2, $0x0  }
0xf1: {  	s3 =	rddreg [dreg:$0x2];
	[bflag:$0x3] =	sbarrier.arrive $0xFFFF;
	s2 =	simm.s32 @!p0 $0x1C02  }
0xf2: {  	[timem:s3], [sflag:s2] =	dma.local @!p0 [hbm:s0], s1  }
0xf3: {  	s0 =	simm.s32 @!p0 $0x2  }
0xf4: {  	_ =	swait.ge @!p0 [sflag:s0], s1  }
0xf5: {  	s1 =	ssub.s32 @!p0 $0x0, s1;
	[sflag:s0] =	ssyncset.done @!p0 $0x0  }
0xf6: {  	[sflag:s0] =	ssyncadd.s32 @!p0 s1  }
0xf7: {  	[bflag:$0x3] =	sbarrier.arrive $0xFFFF  }
0xf8: {  	_ =	shalt  }

</sc_bundles>
